<compile_context>
chip_gen: v7x
topology: tpu7x:2x2x1
jax: 0.10.2.dev20260603
libtpu: 0.0.44.dev20260713+nightly
codegen_flags: <defaults>
</compile_context>

<pallas_src>
import functools

import jax
import jax.numpy as jnp
from jax import lax
from jax.experimental import pallas as pl
from jax.experimental.pallas import tpu as pltpu
from jax.experimental.pallas import tpu_sc as plsc

D_MODEL = 512
CHUNK = 40
NBUF = 5


@functools.lru_cache(maxsize=None)
def _build_lookup(total, d_model):
    info = plsc.get_sparse_core_info()
    num_cores, num_subcores = info.num_cores, info.num_subcores
    nw = num_cores * num_subcores
    assert total % (nw * CHUNK) == 0
    b_per_w = total // nw
    n_chunks = b_per_w // CHUNK
    assert n_chunks % NBUF == 0
    n_groups = n_chunks // NBUF

    mesh = plsc.VectorSubcoreMesh(core_axis_name="c", subcore_axis_name="s")

    @functools.partial(
        pl.kernel,
        mesh=mesh,
        out_type=jax.ShapeDtypeStruct((total, d_model), jnp.float32),
        scratch_types=[
            pltpu.VMEM((b_per_w,), jnp.int32),
            pltpu.VMEM((NBUF, CHUNK, d_model), jnp.float32),
        ]
        + [pltpu.SemaphoreType.DMA] * (2 * NBUF),
    )
    def lookup(idx_hbm, table_hbm, out_hbm, idx_v, rows_v, *sems):
        gsem, wsem = sems[:NBUF], sems[NBUF:]
        wid = lax.axis_index("s") * num_cores + lax.axis_index("c")
        base = wid * b_per_w
        pltpu.sync_copy(idx_hbm.at[wid], idx_v)

        def gather(c, b):
            return pltpu.make_async_copy(
                table_hbm.at[idx_v.at[pl.ds(c * CHUNK, CHUNK)]],
                rows_v.at[b],
                gsem[b],
            )

        def write(c, b):
            return pltpu.make_async_copy(
                rows_v.at[b], out_hbm.at[pl.ds(base + c * CHUNK, CHUNK)], wsem[b]
            )

        for b in range(NBUF):
            gather(b, b).start()

        def body(i, carry):
            c0 = NBUF * i
            for b in range(NBUF):
                gather(c0 + b, b).wait()
                write(c0 + b, b).start()

            @pl.when(i + 1 < n_groups)
            def _():
                for b in range(NBUF):
                    write(c0 + b, b).wait()
                    gather(c0 + NBUF + b, b).start()

            return carry

        lax.fori_loop(0, n_groups, body, 0)
        for b in range(NBUF):
            write(n_chunks - NBUF + b, b).wait()

    return lookup, nw, b_per_w


def kernel(x, weight):
    batch, hist = x.shape
    total = batch * hist
    d_model = weight.shape[1]
    lookup, nw, b_per_w = _build_lookup(total, d_model)
    idx = x.reshape(nw, b_per_w).astype(jnp.int32)
    out = lookup(idx, weight)
    return out.reshape(batch, hist, d_model)

# --- scband reference (transcript-rebuilt; emitter-appended) ---
"""Pipeline reference for scband-embedding-t5-53738630808199 (READ-ONLY COPY).

The authoritative reference and input builder live on the scoring server;
editing this copy changes nothing except your own understanding.
"""

import jax, jax.numpy as jnp
import numpy as np

VOCAB_SIZE = 32128
D_MODEL = 512
BATCH = 4096
HIST_LEN = 200

def setup_inputs(seed: int = 0) -> dict:
    key = jax.random.key(seed)
    k_idx, k_w = jax.random.split(key)
    x = jax.random.randint(k_idx, (BATCH, HIST_LEN), 0, VOCAB_SIZE, dtype=jnp.int64 if jax.config.read('jax_enable_x64') else jnp.int32)
    weight = jax.random.normal(k_w, (VOCAB_SIZE, D_MODEL), dtype=jnp.float32)
    return {"x": x, "weight": weight}

def reference(x, weight):
    # Faithful translation of EmbeddingT5.forward: out = self.weight[x]
    out = jnp.take(weight, x, axis=0)
    return out

if __name__ == "__main__":
    import jax
    _d = setup_inputs()
    print(jax.jit(kernel)(*tuple(_d.values())))

</pallas_src>

<mosaic_0001>
#map = affine_map<(d0, d1) -> (0, 0)>
module attributes {stable_mosaic.version = 14 : i64} {
  func.func @lookup(%arg0: i32, %arg1: i32, %arg2: memref<32x25600xi32, #tpu.memory_space<hbm>>, %arg3: memref<32128x512xf32, #tpu.memory_space<hbm>>, %arg4: memref<819200x512xf32, #tpu.memory_space<hbm>>, %arg5: memref<25600xi32, #tpu.memory_space<vmem>>, %arg6: memref<5x40x512xf32, #tpu.memory_space<vmem>>, %arg7: memref<!tpu.dma_semaphore, #tpu.memory_space<semaphore_mem>>, %arg8: memref<!tpu.dma_semaphore, #tpu.memory_space<semaphore_mem>>, %arg9: memref<!tpu.dma_semaphore, #tpu.memory_space<semaphore_mem>>, %arg10: memref<!tpu.dma_semaphore, #tpu.memory_space<semaphore_mem>>, %arg11: memref<!tpu.dma_semaphore, #tpu.memory_space<semaphore_mem>>, %arg12: memref<!tpu.dma_semaphore, #tpu.memory_space<semaphore_mem>>, %arg13: memref<!tpu.dma_semaphore, #tpu.memory_space<semaphore_mem>>, %arg14: memref<!tpu.dma_semaphore, #tpu.memory_space<semaphore_mem>>, %arg15: memref<!tpu.dma_semaphore, #tpu.memory_space<semaphore_mem>>, %arg16: memref<!tpu.dma_semaphore, #tpu.memory_space<semaphore_mem>>) attributes {dimension_semantics = [#tpu.dimension_semantics<core_parallel>, #tpu.dimension_semantics<subcore_parallel>], iteration_bounds = array<i64: 2, 16>, scalar_prefetch = 0 : i64, scratch_operands = 12 : i64, tpu.core_type = #tpu.core_type<sc_vector_subcore>, window_params = [{transform_indices = #map}, {transform_indices = #map}, {transform_indices = #map}]} {
    %mul3A = arith.constant 2 : i32
    %mul3A_0 = arith.muli %arg1, %mul3A : i32
    %add3A = arith.addi %mul3A_0, %arg0 : i32
    %mul3A_1 = arith.constant 25600 : i32
    %mul3A_2 = arith.muli %add3A, %mul3A_1 : i32
    "tpu.region"() ({
      %run_scoped3A = tpu.sem_alloc : memref<!tpu.dma_semaphore, #tpu.memory_space<semaphore_mem>>
      %dma_start3A_131 = arith.constant 0 : i32
      %dma_start3A_132 = tpu.memref_slice %arg2[%add3A, %dma_start3A_131] : memref<32x25600xi32, #tpu.memory_space<hbm>> -> memref<1x25600xi32, #tpu.memory_space<hbm>>
      %dma_start3A_133 = tpu.memref_squeeze %dma_start3A_132 : memref<1x25600xi32, #tpu.memory_space<hbm>> -> memref<25600xi32, #tpu.memory_space<hbm>>
      %dma_start3A_134 = arith.constant 0 : i32
      %dma_start3A_135 = tpu.memref_slice %arg2[%add3A, %dma_start3A_134] : memref<32x25600xi32, #tpu.memory_space<hbm>> -> memref<1x25600xi32, #tpu.memory_space<hbm>>
      %dma_start3A_136 = tpu.memref_squeeze %dma_start3A_135 : memref<1x25600xi32, #tpu.memory_space<hbm>> -> memref<25600xi32, #tpu.memory_space<hbm>>
      tpu.enqueue_dma source(%dma_start3A_136 : memref<25600xi32, #tpu.memory_space<hbm>>) target(%arg5 : memref<25600xi32, #tpu.memory_space<vmem>>) target_semaphore(%run_scoped3A : memref<!tpu.dma_semaphore, #tpu.memory_space<semaphore_mem>>)
      %dma_wait3A_137 = arith.constant 0 : i32
      %dma_wait3A_138 = tpu.memref_slice %arg2[%add3A, %dma_wait3A_137] : memref<32x25600xi32, #tpu.memory_space<hbm>> -> memref<1x25600xi32, #tpu.memory_space<hbm>>
      %dma_wait3A_139 = tpu.memref_squeeze %dma_wait3A_138 : memref<1x25600xi32, #tpu.memory_space<hbm>> -> memref<25600xi32, #tpu.memory_space<hbm>>
      %dma_wait3A_140 = arith.constant 0 : i32
      %dma_wait3A_141 = tpu.memref_slice %arg2[%add3A, %dma_wait3A_140] : memref<32x25600xi32, #tpu.memory_space<hbm>> -> memref<1x25600xi32, #tpu.memory_space<hbm>>
      %dma_wait3A_142 = tpu.memref_squeeze %dma_wait3A_141 : memref<1x25600xi32, #tpu.memory_space<hbm>> -> memref<25600xi32, #tpu.memory_space<hbm>>
      tpu.wait_dma2 semaphore(%run_scoped3A : memref<!tpu.dma_semaphore, #tpu.memory_space<semaphore_mem>>) src(%dma_wait3A_142 : memref<25600xi32, #tpu.memory_space<hbm>>) dst(%arg5 : memref<25600xi32, #tpu.memory_space<vmem>>)
      tpu.yield
    }) : () -> ()
    %dma_start3A = arith.constant 0 : i32
    %dma_start3A_3 = arith.constant 0 : i32
    %dma_start3A_4 = arith.constant 0 : i32
    %dma_start3A_5 = tpu.memref_slice %arg6[%dma_start3A, %dma_start3A_3, %dma_start3A_4] : memref<5x40x512xf32, #tpu.memory_space<vmem>> -> memref<1x40x512xf32, #tpu.memory_space<vmem>>
    %dma_start3A_6 = tpu.memref_squeeze %dma_start3A_5 : memref<1x40x512xf32, #tpu.memory_space<vmem>> -> memref<40x512xf32, #tpu.memory_space<vmem>>
    %dma_start3A_7 = arith.constant 0 : i32
    %dma_start3A_8 = tpu.memref_slice %arg5[%dma_start3A_7] : memref<25600xi32, #tpu.memory_space<vmem>> -> memref<40xi32, #tpu.memory_space<vmem>>
    %dma_start3A_9 = arith.constant 0 : i32
    %dma_start3A_10 = arith.constant 0 : i32
    %dma_start3A_11 = tpu.memref_slice %arg3[%dma_start3A_9, %dma_start3A_10] : memref<32128x512xf32, #tpu.memory_space<hbm>> -> memref<32128x512xf32, #tpu.memory_space<hbm>>
    tpu.enqueue_indirect_dma source(%dma_start3A_11 : memref<32128x512xf32, #tpu.memory_space<hbm>>) target(%dma_start3A_6 : memref<40x512xf32, #tpu.memory_space<vmem>>) offsets(%dma_start3A_8 : memref<40xi32, #tpu.memory_space<vmem>>) semaphore(%arg7 : memref<!tpu.dma_semaphore, #tpu.memory_space<semaphore_mem>>)
    %dma_start3A_12 = arith.constant 1 : i32
    %dma_start3A_13 = arith.constant 0 : i32
    %dma_start3A_14 = arith.constant 0 : i32
    %dma_start3A_15 = tpu.memref_slice %arg6[%dma_start3A_12, %dma_start3A_13, %dma_start3A_14] : memref<5x40x512xf32, #tpu.memory_space<vmem>> -> memref<1x40x512xf32, #tpu.memory_space<vmem>>
    %dma_start3A_16 = tpu.memref_squeeze %dma_start3A_15 : memref<1x40x512xf32, #tpu.memory_space<vmem>> -> memref<40x512xf32, #tpu.memory_space<vmem>>
    %dma_start3A_17 = arith.constant 40 : i32
    %dma_start3A_18 = tpu.memref_slice %arg5[%dma_start3A_17] : memref<25600xi32, #tpu.memory_space<vmem>> -> memref<40xi32, #tpu.memory_space<vmem>>
    %dma_start3A_19 = arith.constant 0 : i32
    %dma_start3A_20 = arith.constant 0 : i32
    %dma_start3A_21 = tpu.memref_slice %arg3[%dma_start3A_19, %dma_start3A_20] : memref<32128x512xf32, #tpu.memory_space<hbm>> -> memref<32128x512xf32, #tpu.memory_space<hbm>>
    tpu.enqueue_indirect_dma source(%dma_start3A_21 : memref<32128x512xf32, #tpu.memory_space<hbm>>) target(%dma_start3A_16 : memref<40x512xf32, #tpu.memory_space<vmem>>) offsets(%dma_start3A_18 : memref<40xi32, #tpu.memory_space<vmem>>) semaphore(%arg8 : memref<!tpu.dma_semaphore, #tpu.memory_space<semaphore_mem>>)
    %dma_start3A_22 = arith.constant 2 : i32
    %dma_start3A_23 = arith.constant 0 : i32
    %dma_start3A_24 = arith.constant 0 : i32
    %dma_start3A_25 = tpu.memref_slice %arg6[%dma_start3A_22, %dma_start3A_23, %dma_start3A_24] : memref<5x40x512xf32, #tpu.memory_space<vmem>> -> memref<1x40x512xf32, #tpu.memory_space<vmem>>
    %dma_start3A_26 = tpu.memref_squeeze %dma_start3A_25 : memref<1x40x512xf32, #tpu.memory_space<vmem>> -> memref<40x512xf32, #tpu.memory_space<vmem>>
    %dma_start3A_27 = arith.constant 80 : i32
    %dma_start3A_28 = tpu.memref_slice %arg5[%dma_start3A_27] : memref<25600xi32, #tpu.memory_space<vmem>> -> memref<40xi32, #tpu.memory_space<vmem>>
    %dma_start3A_29 = arith.constant 0 : i32
    %dma_start3A_30 = arith.constant 0 : i32
    %dma_start3A_31 = tpu.memref_slice %arg3[%dma_start3A_29, %dma_start3A_30] : memref<32128x512xf32, #tpu.memory_space<hbm>> -> memref<32128x512xf32, #tpu.memory_space<hbm>>
    tpu.enqueue_indirect_dma source(%dma_start3A_31 : memref<32128x512xf32, #tpu.memory_space<hbm>>) target(%dma_start3A_26 : memref<40x512xf32, #tpu.memory_space<vmem>>) offsets(%dma_start3A_28 : memref<40xi32, #tpu.memory_space<vmem>>) semaphore(%arg9 : memref<!tpu.dma_semaphore, #tpu.memory_space<semaphore_mem>>)
    %dma_start3A_32 = arith.constant 3 : i32
    %dma_start3A_33 = arith.constant 0 : i32
    %dma_start3A_34 = arith.constant 0 : i32
    %dma_start3A_35 = tpu.memref_slice %arg6[%dma_start3A_32, %dma_start3A_33, %dma_start3A_34] : memref<5x40x512xf32, #tpu.memory_space<vmem>> -> memref<1x40x512xf32, #tpu.memory_space<vmem>>
    %dma_start3A_36 = tpu.memref_squeeze %dma_start3A_35 : memref<1x40x512xf32, #tpu.memory_space<vmem>> -> memref<40x512xf32, #tpu.memory_space<vmem>>
    %dma_start3A_37 = arith.constant 120 : i32
    %dma_start3A_38 = tpu.memref_slice %arg5[%dma_start3A_37] : memref<25600xi32, #tpu.memory_space<vmem>> -> memref<40xi32, #tpu.memory_space<vmem>>
    %dma_start3A_39 = arith.constant 0 : i32
    %dma_start3A_40 = arith.constant 0 : i32
    %dma_start3A_41 = tpu.memref_slice %arg3[%dma_start3A_39, %dma_start3A_40] : memref<32128x512xf32, #tpu.memory_space<hbm>> -> memref<32128x512xf32, #tpu.memory_space<hbm>>
    tpu.enqueue_indirect_dma source(%dma_start3A_41 : memref<32128x512xf32, #tpu.memory_space<hbm>>) target(%dma_start3A_36 : memref<40x512xf32, #tpu.memory_space<vmem>>) offsets(%dma_start3A_38 : memref<40xi32, #tpu.memory_space<vmem>>) semaphore(%arg10 : memref<!tpu.dma_semaphore, #tpu.memory_space<semaphore_mem>>)
    %dma_start3A_42 = arith.constant 4 : i32
    %dma_start3A_43 = arith.constant 0 : i32
    %dma_start3A_44 = arith.constant 0 : i32
    %dma_start3A_45 = tpu.memref_slice %arg6[%dma_start3A_42, %dma_start3A_43, %dma_start3A_44] : memref<5x40x512xf32, #tpu.memory_space<vmem>> -> memref<1x40x512xf32, #tpu.memory_space<vmem>>
    %dma_start3A_46 = tpu.memref_squeeze %dma_start3A_45 : memref<1x40x512xf32, #tpu.memory_space<vmem>> -> memref<40x512xf32, #tpu.memory_space<vmem>>
    %dma_start3A_47 = arith.constant 160 : i32
    %dma_start3A_48 = tpu.memref_slice %arg5[%dma_start3A_47] : memref<25600xi32, #tpu.memory_space<vmem>> -> memref<40xi32, #tpu.memory_space<vmem>>
    %dma_start3A_49 = arith.constant 0 : i32
    %dma_start3A_50 = arith.constant 0 : i32
    %dma_start3A_51 = tpu.memref_slice %arg3[%dma_start3A_49, %dma_start3A_50] : memref<32128x512xf32, #tpu.memory_space<hbm>> -> memref<32128x512xf32, #tpu.memory_space<hbm>>
    tpu.enqueue_indirect_dma source(%dma_start3A_51 : memref<32128x512xf32, #tpu.memory_space<hbm>>) target(%dma_start3A_46 : memref<40x512xf32, #tpu.memory_space<vmem>>) offsets(%dma_start3A_48 : memref<40xi32, #tpu.memory_space<vmem>>) semaphore(%arg11 : memref<!tpu.dma_semaphore, #tpu.memory_space<semaphore_mem>>)
    %scan3A = arith.constant 0 : i32
    %scan3A_52 = arith.constant 0 : i32
    %scan3A_53 = arith.constant 128 : i32
    %scan3A_54 = arith.addi %scan3A_52, %scan3A_53 : i32
    %scan3A_55 = arith.constant 1 : i32
    scf.for %scan3A_131 = %scan3A_52 to %scan3A_54 step %scan3A_55  : i32 {
      %mul3A_132 = arith.constant 5 : i32
      %mul3A_133 = arith.muli %mul3A_132, %scan3A_131 : i32
      %add3A_134 = arith.constant 0 : i32
      %add3A_135 = arith.addi %mul3A_133, %add3A_134 : i32
      %mul3A_136 = arith.constant 40 : i32
      %mul3A_137 = arith.muli %add3A_135, %mul3A_136 : i32
      %dma_wait3A_138 = arith.constant 0 : i32
      %dma_wait3A_139 = arith.constant 0 : i32
      %dma_wait3A_140 = arith.constant 0 : i32
      %dma_wait3A_141 = tpu.memref_slice %arg6[%dma_wait3A_138, %dma_wait3A_139, %dma_wait3A_140] : memref<5x40x512xf32, #tpu.memory_space<vmem>> -> memref<1x40x512xf32, #tpu.memory_space<vmem>>
      %dma_wait3A_142 = tpu.memref_squeeze %dma_wait3A_141 : memref<1x40x512xf32, #tpu.memory_space<vmem>> -> memref<40x512xf32, #tpu.memory_space<vmem>>
      %dma_wait3A_143 = tpu.memref_slice %arg5[%mul3A_137] : memref<25600xi32, #tpu.memory_space<vmem>> -> memref<40xi32, #tpu.memory_space<vmem>>
      %dma_wait3A_144 = arith.constant 0 : i32
      %dma_wait3A_145 = arith.constant 0 : i32
      %dma_wait3A_146 = tpu.memref_slice %arg3[%dma_wait3A_144, %dma_wait3A_145] : memref<32128x512xf32, #tpu.memory_space<hbm>> -> memref<32128x512xf32, #tpu.memory_space<hbm>>
      tpu.wait_indirect_dma semaphore(%arg7 : memref<!tpu.dma_semaphore, #tpu.memory_space<semaphore_mem>>) src(%dma_wait3A_146 : memref<32128x512xf32, #tpu.memory_space<hbm>>) dst(%dma_wait3A_142 : memref<40x512xf32, #tpu.memory_space<vmem>>)
      %add3A_147 = arith.constant 0 : i32
      %add3A_148 = arith.addi %mul3A_133, %add3A_147 : i32
      %mul3A_149 = arith.constant 40 : i32
      %mul3A_150 = arith.muli %add3A_148, %mul3A_149 : i32
      %add3A_151 = arith.addi %mul3A_2, %mul3A_150 : i32
      %dma_start3A_152 = arith.constant 0 : i32
      %dma_start3A_153 = arith.constant 0 : i32
      %dma_start3A_154 = arith.constant 0 : i32
      %dma_start3A_155 = tpu.memref_slice %arg6[%dma_start3A_152, %dma_start3A_153, %dma_start3A_154] : memref<5x40x512xf32, #tpu.memory_space<vmem>> -> memref<1x40x512xf32, #tpu.memory_space<vmem>>
      %dma_start3A_156 = tpu.memref_squeeze %dma_start3A_155 : memref<1x40x512xf32, #tpu.memory_space<vmem>> -> memref<40x512xf32, #tpu.memory_space<vmem>>
      %dma_start3A_157 = arith.constant 0 : i32
      %dma_start3A_158 = tpu.memref_slice %arg4[%add3A_151, %dma_start3A_157] : memref<819200x512xf32, #tpu.memory_space<hbm>> -> memref<40x512xf32, #tpu.memory_space<hbm>>
      %dma_start3A_159 = arith.constant 0 : i32
      %dma_start3A_160 = tpu.memref_slice %arg4[%add3A_151, %dma_start3A_159] : memref<819200x512xf32, #tpu.memory_space<hbm>> -> memref<40x512xf32, #tpu.memory_space<hbm>>
      %dma_start3A_161 = arith.constant 0 : i32
      %dma_start3A_162 = arith.constant 0 : i32
      %dma_start3A_163 = tpu.memref_slice %arg6[%dma_start3A_152, %dma_start3A_161, %dma_start3A_162] : memref<5x40x512xf32, #tpu.memory_space<vmem>> -> memref<1x40x512xf32, #tpu.memory_space<vmem>>
      %dma_start3A_164 = tpu.memref_squeeze %dma_start3A_163 : memref<1x40x512xf32, #tpu.memory_space<vmem>> -> memref<40x512xf32, #tpu.memory_space<vmem>>
      tpu.enqueue_dma source(%dma_start3A_164 : memref<40x512xf32, #tpu.memory_space<vmem>>) target(%dma_start3A_160 : memref<40x512xf32, #tpu.memory_space<hbm>>) target_semaphore(%arg12 : memref<!tpu.dma_semaphore, #tpu.memory_space<semaphore_mem>>)
      %add3A_165 = arith.constant 1 : i32
      %add3A_166 = arith.addi %mul3A_133, %add3A_165 : i32
      %mul3A_167 = arith.constant 40 : i32
      %mul3A_168 = arith.muli %add3A_166, %mul3A_167 : i32
      %dma_wait3A_169 = arith.constant 1 : i32
      %dma_wait3A_170 = arith.constant 0 : i32
      %dma_wait3A_171 = arith.constant 0 : i32
      %dma_wait3A_172 = tpu.memref_slice %arg6[%dma_wait3A_169, %dma_wait3A_170, %dma_wait3A_171] : memref<5x40x512xf32, #tpu.memory_space<vmem>> -> memref<1x40x512xf32, #tpu.memory_space<vmem>>
      %dma_wait3A_173 = tpu.memref_squeeze %dma_wait3A_172 : memref<1x40x512xf32, #tpu.memory_space<vmem>> -> memref<40x512xf32, #tpu.memory_space<vmem>>
      %dma_wait3A_174 = tpu.memref_slice %arg5[%mul3A_168] : memref<25600xi32, #tpu.memory_space<vmem>> -> memref<40xi32, #tpu.memory_space<vmem>>
      %dma_wait3A_175 = arith.constant 0 : i32
      %dma_wait3A_176 = arith.constant 0 : i32
      %dma_wait3A_177 = tpu.memref_slice %arg3[%dma_wait3A_175, %dma_wait3A_176] : memref<32128x512xf32, #tpu.memory_space<hbm>> -> memref<32128x512xf32, #tpu.memory_space<hbm>>
      tpu.wait_indirect_dma semaphore(%arg8 : memref<!tpu.dma_semaphore, #tpu.memory_space<semaphore_mem>>) src(%dma_wait3A_177 : memref<32128x512xf32, #tpu.memory_space<hbm>>) dst(%dma_wait3A_173 : memref<40x512xf32, #tpu.memory_space<vmem>>)
      %add3A_178 = arith.constant 1 : i32
      %add3A_179 = arith.addi %mul3A_133, %add3A_178 : i32
      %mul3A_180 = arith.constant 40 : i32
      %mul3A_181 = arith.muli %add3A_179, %mul3A_180 : i32
      %add3A_182 = arith.addi %mul3A_2, %mul3A_181 : i32
      %dma_start3A_183 = arith.constant 1 : i32
      %dma_start3A_184 = arith.constant 0 : i32
      %dma_start3A_185 = arith.constant 0 : i32
      %dma_start3A_186 = tpu.memref_slice %arg6[%dma_start3A_183, %dma_start3A_184, %dma_start3A_185] : memref<5x40x512xf32, #tpu.memory_space<vmem>> -> memref<1x40x512xf32, #tpu.memory_space<vmem>>
      %dma_start3A_187 = tpu.memref_squeeze %dma_start3A_186 : memref<1x40x512xf32, #tpu.memory_space<vmem>> -> memref<40x512xf32, #tpu.memory_space<vmem>>
      %dma_start3A_188 = arith.constant 0 : i32
      %dma_start3A_189 = tpu.memref_slice %arg4[%add3A_182, %dma_start3A_188] : memref<819200x512xf32, #tpu.memory_space<hbm>> -> memref<40x512xf32, #tpu.memory_space<hbm>>
      %dma_start3A_190 = arith.constant 0 : i32
      %dma_start3A_191 = tpu.memref_slice %arg4[%add3A_182, %dma_start3A_190] : memref<819200x512xf32, #tpu.memory_space<hbm>> -> memref<40x512xf32, #tpu.memory_space<hbm>>
      %dma_start3A_192 = arith.constant 0 : i32
      %dma_start3A_193 = arith.constant 0 : i32
      %dma_start3A_194 = tpu.memref_slice %arg6[%dma_start3A_183, %dma_start3A_192, %dma_start3A_193] : memref<5x40x512xf32, #tpu.memory_space<vmem>> -> memref<1x40x512xf32, #tpu.memory_space<vmem>>
      %dma_start3A_195 = tpu.memref_squeeze %dma_start3A_194 : memref<1x40x512xf32, #tpu.memory_space<vmem>> -> memref<40x512xf32, #tpu.memory_space<vmem>>
      tpu.enqueue_dma source(%dma_start3A_195 : memref<40x512xf32, #tpu.memory_space<vmem>>) target(%dma_start3A_191 : memref<40x512xf32, #tpu.memory_space<hbm>>) target_semaphore(%arg13 : memref<!tpu.dma_semaphore, #tpu.memory_space<semaphore_mem>>)
      %add3A_196 = arith.constant 2 : i32
      %add3A_197 = arith.addi %mul3A_133, %add3A_196 : i32
      %mul3A_198 = arith.constant 40 : i32
      %mul3A_199 = arith.muli %add3A_197, %mul3A_198 : i32
      %dma_wait3A_200 = arith.constant 2 : i32
      %dma_wait3A_201 = arith.constant 0 : i32
      %dma_wait3A_202 = arith.constant 0 : i32
      %dma_wait3A_203 = tpu.memref_slice %arg6[%dma_wait3A_200, %dma_wait3A_201, %dma_wait3A_202] : memref<5x40x512xf32, #tpu.memory_space<vmem>> -> memref<1x40x512xf32, #tpu.memory_space<vmem>>
      %dma_wait3A_204 = tpu.memref_squeeze %dma_wait3A_203 : memref<1x40x512xf32, #tpu.memory_space<vmem>> -> memref<40x512xf32, #tpu.memory_space<vmem>>
      %dma_wait3A_205 = tpu.memref_slice %arg5[%mul3A_199] : memref<25600xi32, #tpu.memory_space<vmem>> -> memref<40xi32, #tpu.memory_space<vmem>>
      %dma_wait3A_206 = arith.constant 0 : i32
      %dma_wait3A_207 = arith.constant 0 : i32
      %dma_wait3A_208 = tpu.memref_slice %arg3[%dma_wait3A_206, %dma_wait3A_207] : memref<32128x512xf32, #tpu.memory_space<hbm>> -> memref<32128x512xf32, #tpu.memory_space<hbm>>
      tpu.wait_indirect_dma semaphore(%arg9 : memref<!tpu.dma_semaphore, #tpu.memory_space<semaphore_mem>>) src(%dma_wait3A_208 : memref<32128x512xf32, #tpu.memory_space<hbm>>) dst(%dma_wait3A_204 : memref<40x512xf32, #tpu.memory_space<vmem>>)
      %add3A_209 = arith.constant 2 : i32
      %add3A_210 = arith.addi %mul3A_133, %add3A_209 : i32
      %mul3A_211 = arith.constant 40 : i32
      %mul3A_212 = arith.muli %add3A_210, %mul3A_211 : i32
      %add3A_213 = arith.addi %mul3A_2, %mul3A_212 : i32
      %dma_start3A_214 = arith.constant 2 : i32
      %dma_start3A_215 = arith.constant 0 : i32
      %dma_start3A_216 = arith.constant 0 : i32
      %dma_start3A_217 = tpu.memref_slice %arg6[%dma_start3A_214, %dma_start3A_215, %dma_start3A_216] : memref<5x40x512xf32, #tpu.memory_space<vmem>> -> memref<1x40x512xf32, #tpu.memory_space<vmem>>
      %dma_start3A_218 = tpu.memref_squeeze %dma_start3A_217 : memref<1x40x512xf32, #tpu.memory_space<vmem>> -> memref<40x512xf32, #tpu.memory_space<vmem>>
      %dma_start3A_219 = arith.constant 0 : i32
      %dma_start3A_220 = tpu.memref_slice %arg4[%add3A_213, %dma_start3A_219] : memref<819200x512xf32, #tpu.memory_space<hbm>> -> memref<40x512xf32, #tpu.memory_space<hbm>>
      %dma_start3A_221 = arith.constant 0 : i32
      %dma_start3A_222 = tpu.memref_slice %arg4[%add3A_213, %dma_start3A_221] : memref<819200x512xf32, #tpu.memory_space<hbm>> -> memref<40x512xf32, #tpu.memory_space<hbm>>
      %dma_start3A_223 = arith.constant 0 : i32
      %dma_start3A_224 = arith.constant 0 : i32
      %dma_start3A_225 = tpu.memref_slice %arg6[%dma_start3A_214, %dma_start3A_223, %dma_start3A_224] : memref<5x40x512xf32, #tpu.memory_space<vmem>> -> memref<1x40x512xf32, #tpu.memory_space<vmem>>
      %dma_start3A_226 = tpu.memref_squeeze %dma_start3A_225 : memref<1x40x512xf32, #tpu.memory_space<vmem>> -> memref<40x512xf32, #tpu.memory_space<vmem>>
      tpu.enqueue_dma source(%dma_start3A_226 : memref<40x512xf32, #tpu.memory_space<vmem>>) target(%dma_start3A_222 : memref<40x512xf32, #tpu.memory_space<hbm>>) target_semaphore(%arg14 : memref<!tpu.dma_semaphore, #tpu.memory_space<semaphore_mem>>)
      %add3A_227 = arith.constant 3 : i32
      %add3A_228 = arith.addi %mul3A_133, %add3A_227 : i32
      %mul3A_229 = arith.constant 40 : i32
      %mul3A_230 = arith.muli %add3A_228, %mul3A_229 : i32
      %dma_wait3A_231 = arith.constant 3 : i32
      %dma_wait3A_232 = arith.constant 0 : i32
      %dma_wait3A_233 = arith.constant 0 : i32
      %dma_wait3A_234 = tpu.memref_slice %arg6[%dma_wait3A_231, %dma_wait3A_232, %dma_wait3A_233] : memref<5x40x512xf32, #tpu.memory_space<vmem>> -> memref<1x40x512xf32, #tpu.memory_space<vmem>>
      %dma_wait3A_235 = tpu.memref_squeeze %dma_wait3A_234 : memref<1x40x512xf32, #tpu.memory_space<vmem>> -> memref<40x512xf32, #tpu.memory_space<vmem>>
      %dma_wait3A_236 = tpu.memref_slice %arg5[%mul3A_230] : memref<25600xi32, #tpu.memory_space<vmem>> -> memref<40xi32, #tpu.memory_space<vmem>>
      %dma_wait3A_237 = arith.constant 0 : i32
      %dma_wait3A_238 = arith.constant 0 : i32
      %dma_wait3A_239 = tpu.memref_slice %arg3[%dma_wait3A_237, %dma_wait3A_238] : memref<32128x512xf32, #tpu.memory_space<hbm>> -> memref<32128x512xf32, #tpu.memory_space<hbm>>
      tpu.wait_indirect_dma semaphore(%arg10 : memref<!tpu.dma_semaphore, #tpu.memory_space<semaphore_mem>>) src(%dma_wait3A_239 : memref<32128x512xf32, #tpu.memory_space<hbm>>) dst(%dma_wait3A_235 : memref<40x512xf32, #tpu.memory_space<vmem>>)
      %add3A_240 = arith.constant 3 : i32
      %add3A_241 = arith.addi %mul3A_133, %add3A_240 : i32
      %mul3A_242 = arith.constant 40 : i32
      %mul3A_243 = arith.muli %add3A_241, %mul3A_242 : i32
      %add3A_244 = arith.addi %mul3A_2, %mul3A_243 : i32
      %dma_start3A_245 = arith.constant 3 : i32
      %dma_start3A_246 = arith.constant 0 : i32
      %dma_start3A_247 = arith.constant 0 : i32
      %dma_start3A_248 = tpu.memref_slice %arg6[%dma_start3A_245, %dma_start3A_246, %dma_start3A_247] : memref<5x40x512xf32, #tpu.memory_space<vmem>> -> memref<1x40x512xf32, #tpu.memory_space<vmem>>
      %dma_start3A_249 = tpu.memref_squeeze %dma_start3A_248 : memref<1x40x512xf32, #tpu.memory_space<vmem>> -> memref<40x512xf32, #tpu.memory_space<vmem>>
      %dma_start3A_250 = arith.constant 0 : i32
      %dma_start3A_251 = tpu.memref_slice %arg4[%add3A_244, %dma_start3A_250] : memref<819200x512xf32, #tpu.memory_space<hbm>> -> memref<40x512xf32, #tpu.memory_space<hbm>>
      %dma_start3A_252 = arith.constant 0 : i32
      %dma_start3A_253 = tpu.memref_slice %arg4[%add3A_244, %dma_start3A_252] : memref<819200x512xf32, #tpu.memory_space<hbm>> -> memref<40x512xf32, #tpu.memory_space<hbm>>
      %dma_start3A_254 = arith.constant 0 : i32
      %dma_start3A_255 = arith.constant 0 : i32
      %dma_start3A_256 = tpu.memref_slice %arg6[%dma_start3A_245, %dma_start3A_254, %dma_start3A_255] : memref<5x40x512xf32, #tpu.memory_space<vmem>> -> memref<1x40x512xf32, #tpu.memory_space<vmem>>
      %dma_start3A_257 = tpu.memref_squeeze %dma_start3A_256 : memref<1x40x512xf32, #tpu.memory_space<vmem>> -> memref<40x512xf32, #tpu.memory_space<vmem>>
      tpu.enqueue_dma source(%dma_start3A_257 : memref<40x512xf32, #tpu.memory_space<vmem>>) target(%dma_start3A_253 : memref<40x512xf32, #tpu.memory_space<hbm>>) target_semaphore(%arg15 : memref<!tpu.dma_semaphore, #tpu.memory_space<semaphore_mem>>)
      %add3A_258 = arith.constant 4 : i32
      %add3A_259 = arith.addi %mul3A_133, %add3A_258 : i32
      %mul3A_260 = arith.constant 40 : i32
      %mul3A_261 = arith.muli %add3A_259, %mul3A_260 : i32
      %dma_wait3A_262 = arith.constant 4 : i32
      %dma_wait3A_263 = arith.constant 0 : i32
      %dma_wait3A_264 = arith.constant 0 : i32
      %dma_wait3A_265 = tpu.memref_slice %arg6[%dma_wait3A_262, %dma_wait3A_263, %dma_wait3A_264] : memref<5x40x512xf32, #tpu.memory_space<vmem>> -> memref<1x40x512xf32, #tpu.memory_space<vmem>>
      %dma_wait3A_266 = tpu.memref_squeeze %dma_wait3A_265 : memref<1x40x512xf32, #tpu.memory_space<vmem>> -> memref<40x512xf32, #tpu.memory_space<vmem>>
      %dma_wait3A_267 = tpu.memref_slice %arg5[%mul3A_261] : memref<25600xi32, #tpu.memory_space<vmem>> -> memref<40xi32, #tpu.memory_space<vmem>>
      %dma_wait3A_268 = arith.constant 0 : i32
      %dma_wait3A_269 = arith.constant 0 : i32
      %dma_wait3A_270 = tpu.memref_slice %arg3[%dma_wait3A_268, %dma_wait3A_269] : memref<32128x512xf32, #tpu.memory_space<hbm>> -> memref<32128x512xf32, #tpu.memory_space<hbm>>
      tpu.wait_indirect_dma semaphore(%arg11 : memref<!tpu.dma_semaphore, #tpu.memory_space<semaphore_mem>>) src(%dma_wait3A_270 : memref<32128x512xf32, #tpu.memory_space<hbm>>) dst(%dma_wait3A_266 : memref<40x512xf32, #tpu.memory_space<vmem>>)
      %add3A_271 = arith.constant 4 : i32
      %add3A_272 = arith.addi %mul3A_133, %add3A_271 : i32
      %mul3A_273 = arith.constant 40 : i32
      %mul3A_274 = arith.muli %add3A_272, %mul3A_273 : i32
      %add3A_275 = arith.addi %mul3A_2, %mul3A_274 : i32
      %dma_start3A_276 = arith.constant 4 : i32
      %dma_start3A_277 = arith.constant 0 : i32
      %dma_start3A_278 = arith.constant 0 : i32
      %dma_start3A_279 = tpu.memref_slice %arg6[%dma_start3A_276, %dma_start3A_277, %dma_start3A_278] : memref<5x40x512xf32, #tpu.memory_space<vmem>> -> memref<1x40x512xf32, #tpu.memory_space<vmem>>
      %dma_start3A_280 = tpu.memref_squeeze %dma_start3A_279 : memref<1x40x512xf32, #tpu.memory_space<vmem>> -> memref<40x512xf32, #tpu.memory_space<vmem>>
      %dma_start3A_281 = arith.constant 0 : i32
      %dma_start3A_282 = tpu.memref_slice %arg4[%add3A_275, %dma_start3A_281] : memref<819200x512xf32, #tpu.memory_space<hbm>> -> memref<40x512xf32, #tpu.memory_space<hbm>>
      %dma_start3A_283 = arith.constant 0 : i32
      %dma_start3A_284 = tpu.memref_slice %arg4[%add3A_275, %dma_start3A_283] : memref<819200x512xf32, #tpu.memory_space<hbm>> -> memref<40x512xf32, #tpu.memory_space<hbm>>
      %dma_start3A_285 = arith.constant 0 : i32
      %dma_start3A_286 = arith.constant 0 : i32
      %dma_start3A_287 = tpu.memref_slice %arg6[%dma_start3A_276, %dma_start3A_285, %dma_start3A_286] : memref<5x40x512xf32, #tpu.memory_space<vmem>> -> memref<1x40x512xf32, #tpu.memory_space<vmem>>
      %dma_start3A_288 = tpu.memref_squeeze %dma_start3A_287 : memref<1x40x512xf32, #tpu.memory_space<vmem>> -> memref<40x512xf32, #tpu.memory_space<vmem>>
      tpu.enqueue_dma source(%dma_start3A_288 : memref<40x512xf32, #tpu.memory_space<vmem>>) target(%dma_start3A_284 : memref<40x512xf32, #tpu.memory_space<hbm>>) target_semaphore(%arg16 : memref<!tpu.dma_semaphore, #tpu.memory_space<semaphore_mem>>)
      %add3A_289 = arith.constant 1 : i32
      %add3A_290 = arith.addi %scan3A_131, %add3A_289 : i32
      %lt3A = arith.constant 128 : i32
      %lt3A_291 = arith.cmpi slt, %add3A_290, %lt3A : i32
      %convert_element_type3A = arith.extui %lt3A_291 : i1 to i32
      %cond3A = arith.constant 0 : i32
      %cond3A_292 = arith.cmpi ne, %convert_element_type3A, %cond3A : i32
      scf.if %cond3A_292 {
        %add3A_293 = arith.constant 0 : i32
        %add3A_294 = arith.addi %mul3A_133, %add3A_293 : i32
        %mul3A_295 = arith.constant 40 : i32
        %mul3A_296 = arith.muli %add3A_294, %mul3A_295 : i32
        %add3A_297 = arith.addi %mul3A_2, %mul3A_296 : i32
        %dma_wait3A_298 = arith.constant 0 : i32
        %dma_wait3A_299 = arith.constant 0 : i32
        %dma_wait3A_300 = arith.constant 0 : i32
        %dma_wait3A_301 = tpu.memref_slice %arg6[%dma_wait3A_298, %dma_wait3A_299, %dma_wait3A_300] : memref<5x40x512xf32, #tpu.memory_space<vmem>> -> memref<1x40x512xf32, #tpu.memory_space<vmem>>
        %dma_wait3A_302 = tpu.memref_squeeze %dma_wait3A_301 : memref<1x40x512xf32, #tpu.memory_space<vmem>> -> memref<40x512xf32, #tpu.memory_space<vmem>>
        %dma_wait3A_303 = arith.constant 0 : i32
        %dma_wait3A_304 = tpu.memref_slice %arg4[%add3A_297, %dma_wait3A_303] : memref<819200x512xf32, #tpu.memory_space<hbm>> -> memref<40x512xf32, #tpu.memory_space<hbm>>
        %dma_wait3A_305 = arith.constant 0 : i32
        %dma_wait3A_306 = tpu.memref_slice %arg4[%add3A_297, %dma_wait3A_305] : memref<819200x512xf32, #tpu.memory_space<hbm>> -> memref<40x512xf32, #tpu.memory_space<hbm>>
        %dma_wait3A_307 = arith.constant 0 : i32
        %dma_wait3A_308 = arith.constant 0 : i32
        %dma_wait3A_309 = tpu.memref_slice %arg6[%dma_wait3A_298, %dma_wait3A_307, %dma_wait3A_308] : memref<5x40x512xf32, #tpu.memory_space<vmem>> -> memref<1x40x512xf32, #tpu.memory_space<vmem>>
        %dma_wait3A_310 = tpu.memref_squeeze %dma_wait3A_309 : memref<1x40x512xf32, #tpu.memory_space<vmem>> -> memref<40x512xf32, #tpu.memory_space<vmem>>
        tpu.wait_dma2 semaphore(%arg12 : memref<!tpu.dma_semaphore, #tpu.memory_space<semaphore_mem>>) src(%dma_wait3A_310 : memref<40x512xf32, #tpu.memory_space<vmem>>) dst(%dma_wait3A_306 : memref<40x512xf32, #tpu.memory_space<hbm>>)
        %add3A_311 = arith.constant 5 : i32
        %add3A_312 = arith.addi %mul3A_133, %add3A_311 : i32
        %add3A_313 = arith.constant 0 : i32
        %add3A_314 = arith.addi %add3A_312, %add3A_313 : i32
        %mul3A_315 = arith.constant 40 : i32
        %mul3A_316 = arith.muli %add3A_314, %mul3A_315 : i32
        %dma_start3A_317 = arith.constant 0 : i32
        %dma_start3A_318 = arith.constant 0 : i32
        %dma_start3A_319 = arith.constant 0 : i32
        %dma_start3A_320 = tpu.memref_slice %arg6[%dma_start3A_317, %dma_start3A_318, %dma_start3A_319] : memref<5x40x512xf32, #tpu.memory_space<vmem>> -> memref<1x40x512xf32, #tpu.memory_space<vmem>>
        %dma_start3A_321 = tpu.memref_squeeze %dma_start3A_320 : memref<1x40x512xf32, #tpu.memory_space<vmem>> -> memref<40x512xf32, #tpu.memory_space<vmem>>
        %dma_start3A_322 = tpu.memref_slice %arg5[%mul3A_316] : memref<25600xi32, #tpu.memory_space<vmem>> -> memref<40xi32, #tpu.memory_space<vmem>>
        %dma_start3A_323 = arith.constant 0 : i32
        %dma_start3A_324 = arith.constant 0 : i32
        %dma_start3A_325 = tpu.memref_slice %arg3[%dma_start3A_323, %dma_start3A_324] : memref<32128x512xf32, #tpu.memory_space<hbm>> -> memref<32128x512xf32, #tpu.memory_space<hbm>>
        tpu.enqueue_indirect_dma source(%dma_start3A_325 : memref<32128x512xf32, #tpu.memory_space<hbm>>) target(%dma_start3A_321 : memref<40x512xf32, #tpu.memory_space<vmem>>) offsets(%dma_start3A_322 : memref<40xi32, #tpu.memory_space<vmem>>) semaphore(%arg7 : memref<!tpu.dma_semaphore, #tpu.memory_space<semaphore_mem>>)
        %add3A_326 = arith.constant 1 : i32
        %add3A_327 = arith.addi %mul3A_133, %add3A_326 : i32
        %mul3A_328 = arith.constant 40 : i32
        %mul3A_329 = arith.muli %add3A_327, %mul3A_328 : i32
        %add3A_330 = arith.addi %mul3A_2, %mul3A_329 : i32
        %dma_wait3A_331 = arith.constant 1 : i32
        %dma_wait3A_332 = arith.constant 0 : i32
        %dma_wait3A_333 = arith.constant 0 : i32
        %dma_wait3A_334 = tpu.memref_slice %arg6[%dma_wait3A_331, %dma_wait3A_332, %dma_wait3A_333] : memref<5x40x512xf32, #tpu.memory_space<vmem>> -> memref<1x40x512xf32, #tpu.memory_space<vmem>>
        %dma_wait3A_335 = tpu.memref_squeeze %dma_wait3A_334 : memref<1x40x512xf32, #tpu.memory_space<vmem>> -> memref<40x512xf32, #tpu.memory_space<vmem>>
        %dma_wait3A_336 = arith.constant 0 : i32
        %dma_wait3A_337 = tpu.memref_slice %arg4[%add3A_330, %dma_wait3A_336] : memref<819200x512xf32, #tpu.memory_space<hbm>> -> memref<40x512xf32, #tpu.memory_space<hbm>>
        %dma_wait3A_338 = arith.constant 0 : i32
        %dma_wait3A_339 = tpu.memref_slice %arg4[%add3A_330, %dma_wait3A_338] : memref<819200x512xf32, #tpu.memory_space<hbm>> -> memref<40x512xf32, #tpu.memory_space<hbm>>
        %dma_wait3A_340 = arith.constant 0 : i32
        %dma_wait3A_341 = arith.constant 0 : i32
        %dma_wait3A_342 = tpu.memref_slice %arg6[%dma_wait3A_331, %dma_wait3A_340, %dma_wait3A_341] : memref<5x40x512xf32, #tpu.memory_space<vmem>> -> memref<1x40x512xf32, #tpu.memory_space<vmem>>
        %dma_wait3A_343 = tpu.memref_squeeze %dma_wait3A_342 : memref<1x40x512xf32, #tpu.memory_space<vmem>> -> memref<40x512xf32, #tpu.memory_space<vmem>>
        tpu.wait_dma2 semaphore(%arg13 : memref<!tpu.dma_semaphore, #tpu.memory_space<semaphore_mem>>) src(%dma_wait3A_343 : memref<40x512xf32, #tpu.memory_space<vmem>>) dst(%dma_wait3A_339 : memref<40x512xf32, #tpu.memory_space<hbm>>)
        %add3A_344 = arith.constant 5 : i32
        %add3A_345 = arith.addi %mul3A_133, %add3A_344 : i32
        %add3A_346 = arith.constant 1 : i32
        %add3A_347 = arith.addi %add3A_345, %add3A_346 : i32
        %mul3A_348 = arith.constant 40 : i32
        %mul3A_349 = arith.muli %add3A_347, %mul3A_348 : i32
        %dma_start3A_350 = arith.constant 1 : i32
        %dma_start3A_351 = arith.constant 0 : i32
        %dma_start3A_352 = arith.constant 0 : i32
        %dma_start3A_353 = tpu.memref_slice %arg6[%dma_start3A_350, %dma_start3A_351, %dma_start3A_352] : memref<5x40x512xf32, #tpu.memory_space<vmem>> -> memref<1x40x512xf32, #tpu.memory_space<vmem>>
        %dma_start3A_354 = tpu.memref_squeeze %dma_start3A_353 : memref<1x40x512xf32, #tpu.memory_space<vmem>> -> memref<40x512xf32, #tpu.memory_space<vmem>>
        %dma_start3A_355 = tpu.memref_slice %arg5[%mul3A_349] : memref<25600xi32, #tpu.memory_space<vmem>> -> memref<40xi32, #tpu.memory_space<vmem>>
        %dma_start3A_356 = arith.constant 0 : i32
        %dma_start3A_357 = arith.constant 0 : i32
        %dma_start3A_358 = tpu.memref_slice %arg3[%dma_start3A_356, %dma_start3A_357] : memref<32128x512xf32, #tpu.memory_space<hbm>> -> memref<32128x512xf32, #tpu.memory_space<hbm>>
        tpu.enqueue_indirect_dma source(%dma_start3A_358 : memref<32128x512xf32, #tpu.memory_space<hbm>>) target(%dma_start3A_354 : memref<40x512xf32, #tpu.memory_space<vmem>>) offsets(%dma_start3A_355 : memref<40xi32, #tpu.memory_space<vmem>>) semaphore(%arg8 : memref<!tpu.dma_semaphore, #tpu.memory_space<semaphore_mem>>)
        %add3A_359 = arith.constant 2 : i32
        %add3A_360 = arith.addi %mul3A_133, %add3A_359 : i32
        %mul3A_361 = arith.constant 40 : i32
        %mul3A_362 = arith.muli %add3A_360, %mul3A_361 : i32
        %add3A_363 = arith.addi %mul3A_2, %mul3A_362 : i32
        %dma_wait3A_364 = arith.constant 2 : i32
        %dma_wait3A_365 = arith.constant 0 : i32
        %dma_wait3A_366 = arith.constant 0 : i32
        %dma_wait3A_367 = tpu.memref_slice %arg6[%dma_wait3A_364, %dma_wait3A_365, %dma_wait3A_366] : memref<5x40x512xf32, #tpu.memory_space<vmem>> -> memref<1x40x512xf32, #tpu.memory_space<vmem>>
        %dma_wait3A_368 = tpu.memref_squeeze %dma_wait3A_367 : memref<1x40x512xf32, #tpu.memory_space<vmem>> -> memref<40x512xf32, #tpu.memory_space<vmem>>
        %dma_wait3A_369 = arith.constant 0 : i32
        %dma_wait3A_370 = tpu.memref_slice %arg4[%add3A_363, %dma_wait3A_369] : memref<819200x512xf32, #tpu.memory_space<hbm>> -> memref<40x512xf32, #tpu.memory_space<hbm>>
        %dma_wait3A_371 = arith.constant 0 : i32
        %dma_wait3A_372 = tpu.memref_slice %arg4[%add3A_363, %dma_wait3A_371] : memref<819200x512xf32, #tpu.memory_space<hbm>> -> memref<40x512xf32, #tpu.memory_space<hbm>>
        %dma_wait3A_373 = arith.constant 0 : i32
        %dma_wait3A_374 = arith.constant 0 : i32
        %dma_wait3A_375 = tpu.memref_slice %arg6[%dma_wait3A_364, %dma_wait3A_373, %dma_wait3A_374] : memref<5x40x512xf32, #tpu.memory_space<vmem>> -> memref<1x40x512xf32, #tpu.memory_space<vmem>>
        %dma_wait3A_376 = tpu.memref_squeeze %dma_wait3A_375 : memref<1x40x512xf32, #tpu.memory_space<vmem>> -> memref<40x512xf32, #tpu.memory_space<vmem>>
        tpu.wait_dma2 semaphore(%arg14 : memref<!tpu.dma_semaphore, #tpu.memory_space<semaphore_mem>>) src(%dma_wait3A_376 : memref<40x512xf32, #tpu.memory_space<vmem>>) dst(%dma_wait3A_372 : memref<40x512xf32, #tpu.memory_space<hbm>>)
        %add3A_377 = arith.constant 5 : i32
        %add3A_378 = arith.addi %mul3A_133, %add3A_377 : i32
        %add3A_379 = arith.constant 2 : i32
        %add3A_380 = arith.addi %add3A_378, %add3A_379 : i32
        %mul3A_381 = arith.constant 40 : i32
        %mul3A_382 = arith.muli %add3A_380, %mul3A_381 : i32
        %dma_start3A_383 = arith.constant 2 : i32
        %dma_start3A_384 = arith.constant 0 : i32
        %dma_start3A_385 = arith.constant 0 : i32
        %dma_start3A_386 = tpu.memref_slice %arg6[%dma_start3A_383, %dma_start3A_384, %dma_start3A_385] : memref<5x40x512xf32, #tpu.memory_space<vmem>> -> memref<1x40x512xf32, #tpu.memory_space<vmem>>
        %dma_start3A_387 = tpu.memref_squeeze %dma_start3A_386 : memref<1x40x512xf32, #tpu.memory_space<vmem>> -> memref<40x512xf32, #tpu.memory_space<vmem>>
        %dma_start3A_388 = tpu.memref_slice %arg5[%mul3A_382] : memref<25600xi32, #tpu.memory_space<vmem>> -> memref<40xi32, #tpu.memory_space<vmem>>
        %dma_start3A_389 = arith.constant 0 : i32
        %dma_start3A_390 = arith.constant 0 : i32
        %dma_start3A_391 = tpu.memref_slice %arg3[%dma_start3A_389, %dma_start3A_390] : memref<32128x512xf32, #tpu.memory_space<hbm>> -> memref<32128x512xf32, #tpu.memory_space<hbm>>
        tpu.enqueue_indirect_dma source(%dma_start3A_391 : memref<32128x512xf32, #tpu.memory_space<hbm>>) target(%dma_start3A_387 : memref<40x512xf32, #tpu.memory_space<vmem>>) offsets(%dma_start3A_388 : memref<40xi32, #tpu.memory_space<vmem>>) semaphore(%arg9 : memref<!tpu.dma_semaphore, #tpu.memory_space<semaphore_mem>>)
        %add3A_392 = arith.constant 3 : i32
        %add3A_393 = arith.addi %mul3A_133, %add3A_392 : i32
        %mul3A_394 = arith.constant 40 : i32
        %mul3A_395 = arith.muli %add3A_393, %mul3A_394 : i32
        %add3A_396 = arith.addi %mul3A_2, %mul3A_395 : i32
        %dma_wait3A_397 = arith.constant 3 : i32
        %dma_wait3A_398 = arith.constant 0 : i32
        %dma_wait3A_399 = arith.constant 0 : i32
        %dma_wait3A_400 = tpu.memref_slice %arg6[%dma_wait3A_397, %dma_wait3A_398, %dma_wait3A_399] : memref<5x40x512xf32, #tpu.memory_space<vmem>> -> memref<1x40x512xf32, #tpu.memory_space<vmem>>
        %dma_wait3A_401 = tpu.memref_squeeze %dma_wait3A_400 : memref<1x40x512xf32, #tpu.memory_space<vmem>> -> memref<40x512xf32, #tpu.memory_space<vmem>>
        %dma_wait3A_402 = arith.constant 0 : i32
        %dma_wait3A_403 = tpu.memref_slice %arg4[%add3A_396, %dma_wait3A_402] : memref<819200x512xf32, #tpu.memory_space<hbm>> -> memref<40x512xf32, #tpu.memory_space<hbm>>
        %dma_wait3A_404 = arith.constant 0 : i32
        %dma_wait3A_405 = tpu.memref_slice %arg4[%add3A_396, %dma_wait3A_404] : memref<819200x512xf32, #tpu.memory_space<hbm>> -> memref<40x512xf32, #tpu.memory_space<hbm>>
        %dma_wait3A_406 = arith.constant 0 : i32
        %dma_wait3A_407 = arith.constant 0 : i32
        %dma_wait3A_408 = tpu.memref_slice %arg6[%dma_wait3A_397, %dma_wait3A_406, %dma_wait3A_407] : memref<5x40x512xf32, #tpu.memory_space<vmem>> -> memref<1x40x512xf32, #tpu.memory_space<vmem>>
        %dma_wait3A_409 = tpu.memref_squeeze %dma_wait3A_408 : memref<1x40x512xf32, #tpu.memory_space<vmem>> -> memref<40x512xf32, #tpu.memory_space<vmem>>
        tpu.wait_dma2 semaphore(%arg15 : memref<!tpu.dma_semaphore, #tpu.memory_space<semaphore_mem>>) src(%dma_wait3A_409 : memref<40x512xf32, #tpu.memory_space<vmem>>) dst(%dma_wait3A_405 : memref<40x512xf32, #tpu.memory_space<hbm>>)
        %add3A_410 = arith.constant 5 : i32
        %add3A_411 = arith.addi %mul3A_133, %add3A_410 : i32
        %add3A_412 = arith.constant 3 : i32
        %add3A_413 = arith.addi %add3A_411, %add3A_412 : i32
        %mul3A_414 = arith.constant 40 : i32
        %mul3A_415 = arith.muli %add3A_413, %mul3A_414 : i32
        %dma_start3A_416 = arith.constant 3 : i32
        %dma_start3A_417 = arith.constant 0 : i32
        %dma_start3A_418 = arith.constant 0 : i32
        %dma_start3A_419 = tpu.memref_slice %arg6[%dma_start3A_416, %dma_start3A_417, %dma_start3A_418] : memref<5x40x512xf32, #tpu.memory_space<vmem>> -> memref<1x40x512xf32, #tpu.memory_space<vmem>>
        %dma_start3A_420 = tpu.memref_squeeze %dma_start3A_419 : memref<1x40x512xf32, #tpu.memory_space<vmem>> -> memref<40x512xf32, #tpu.memory_space<vmem>>
        %dma_start3A_421 = tpu.memref_slice %arg5[%mul3A_415] : memref<25600xi32, #tpu.memory_space<vmem>> -> memref<40xi32, #tpu.memory_space<vmem>>
        %dma_start3A_422 = arith.constant 0 : i32
        %dma_start3A_423 = arith.constant 0 : i32
        %dma_start3A_424 = tpu.memref_slice %arg3[%dma_start3A_422, %dma_start3A_423] : memref<32128x512xf32, #tpu.memory_space<hbm>> -> memref<32128x512xf32, #tpu.memory_space<hbm>>
        tpu.enqueue_indirect_dma source(%dma_start3A_424 : memref<32128x512xf32, #tpu.memory_space<hbm>>) target(%dma_start3A_420 : memref<40x512xf32, #tpu.memory_space<vmem>>) offsets(%dma_start3A_421 : memref<40xi32, #tpu.memory_space<vmem>>) semaphore(%arg10 : memref<!tpu.dma_semaphore, #tpu.memory_space<semaphore_mem>>)
        %add3A_425 = arith.constant 4 : i32
        %add3A_426 = arith.addi %mul3A_133, %add3A_425 : i32
        %mul3A_427 = arith.constant 40 : i32
        %mul3A_428 = arith.muli %add3A_426, %mul3A_427 : i32
        %add3A_429 = arith.addi %mul3A_2, %mul3A_428 : i32
        %dma_wait3A_430 = arith.constant 4 : i32
        %dma_wait3A_431 = arith.constant 0 : i32
        %dma_wait3A_432 = arith.constant 0 : i32
        %dma_wait3A_433 = tpu.memref_slice %arg6[%dma_wait3A_430, %dma_wait3A_431, %dma_wait3A_432] : memref<5x40x512xf32, #tpu.memory_space<vmem>> -> memref<1x40x512xf32, #tpu.memory_space<vmem>>
        %dma_wait3A_434 = tpu.memref_squeeze %dma_wait3A_433 : memref<1x40x512xf32, #tpu.memory_space<vmem>> -> memref<40x512xf32, #tpu.memory_space<vmem>>
        %dma_wait3A_435 = arith.constant 0 : i32
        %dma_wait3A_436 = tpu.memref_slice %arg4[%add3A_429, %dma_wait3A_435] : memref<819200x512xf32, #tpu.memory_space<hbm>> -> memref<40x512xf32, #tpu.memory_space<hbm>>
        %dma_wait3A_437 = arith.constant 0 : i32
        %dma_wait3A_438 = tpu.memref_slice %arg4[%add3A_429, %dma_wait3A_437] : memref<819200x512xf32, #tpu.memory_space<hbm>> -> memref<40x512xf32, #tpu.memory_space<hbm>>
        %dma_wait3A_439 = arith.constant 0 : i32
        %dma_wait3A_440 = arith.constant 0 : i32
        %dma_wait3A_441 = tpu.memref_slice %arg6[%dma_wait3A_430, %dma_wait3A_439, %dma_wait3A_440] : memref<5x40x512xf32, #tpu.memory_space<vmem>> -> memref<1x40x512xf32, #tpu.memory_space<vmem>>
        %dma_wait3A_442 = tpu.memref_squeeze %dma_wait3A_441 : memref<1x40x512xf32, #tpu.memory_space<vmem>> -> memref<40x512xf32, #tpu.memory_space<vmem>>
        tpu.wait_dma2 semaphore(%arg16 : memref<!tpu.dma_semaphore, #tpu.memory_space<semaphore_mem>>) src(%dma_wait3A_442 : memref<40x512xf32, #tpu.memory_space<vmem>>) dst(%dma_wait3A_438 : memref<40x512xf32, #tpu.memory_space<hbm>>)
        %add3A_443 = arith.constant 5 : i32
        %add3A_444 = arith.addi %mul3A_133, %add3A_443 : i32
        %add3A_445 = arith.constant 4 : i32
        %add3A_446 = arith.addi %add3A_444, %add3A_445 : i32
        %mul3A_447 = arith.constant 40 : i32
        %mul3A_448 = arith.muli %add3A_446, %mul3A_447 : i32
        %dma_start3A_449 = arith.constant 4 : i32
        %dma_start3A_450 = arith.constant 0 : i32
        %dma_start3A_451 = arith.constant 0 : i32
        %dma_start3A_452 = tpu.memref_slice %arg6[%dma_start3A_449, %dma_start3A_450, %dma_start3A_451] : memref<5x40x512xf32, #tpu.memory_space<vmem>> -> memref<1x40x512xf32, #tpu.memory_space<vmem>>
        %dma_start3A_453 = tpu.memref_squeeze %dma_start3A_452 : memref<1x40x512xf32, #tpu.memory_space<vmem>> -> memref<40x512xf32, #tpu.memory_space<vmem>>
        %dma_start3A_454 = tpu.memref_slice %arg5[%mul3A_448] : memref<25600xi32, #tpu.memory_space<vmem>> -> memref<40xi32, #tpu.memory_space<vmem>>
        %dma_start3A_455 = arith.constant 0 : i32
        %dma_start3A_456 = arith.constant 0 : i32
        %dma_start3A_457 = tpu.memref_slice %arg3[%dma_start3A_455, %dma_start3A_456] : memref<32128x512xf32, #tpu.memory_space<hbm>> -> memref<32128x512xf32, #tpu.memory_space<hbm>>
        tpu.enqueue_indirect_dma source(%dma_start3A_457 : memref<32128x512xf32, #tpu.memory_space<hbm>>) target(%dma_start3A_453 : memref<40x512xf32, #tpu.memory_space<vmem>>) offsets(%dma_start3A_454 : memref<40xi32, #tpu.memory_space<vmem>>) semaphore(%arg11 : memref<!tpu.dma_semaphore, #tpu.memory_space<semaphore_mem>>)
      } else {
      }
    }
    %scan3A_56 = arith.constant 128 : i32
    %add3A_57 = arith.constant 25400 : i32
    %add3A_58 = arith.addi %mul3A_2, %add3A_57 : i32
    %dma_wait3A = arith.constant 0 : i32
    %dma_wait3A_59 = arith.constant 0 : i32
    %dma_wait3A_60 = arith.constant 0 : i32
    %dma_wait3A_61 = tpu.memref_slice %arg6[%dma_wait3A, %dma_wait3A_59, %dma_wait3A_60] : memref<5x40x512xf32, #tpu.memory_space<vmem>> -> memref<1x40x512xf32, #tpu.memory_space<vmem>>
    %dma_wait3A_62 = tpu.memref_squeeze %dma_wait3A_61 : memref<1x40x512xf32, #tpu.memory_space<vmem>> -> memref<40x512xf32, #tpu.memory_space<vmem>>
    %dma_wait3A_63 = arith.constant 0 : i32
    %dma_wait3A_64 = tpu.memref_slice %arg4[%add3A_58, %dma_wait3A_63] : memref<819200x512xf32, #tpu.memory_space<hbm>> -> memref<40x512xf32, #tpu.memory_space<hbm>>
    %dma_wait3A_65 = arith.constant 0 : i32
    %dma_wait3A_66 = tpu.memref_slice %arg4[%add3A_58, %dma_wait3A_65] : memref<819200x512xf32, #tpu.memory_space<hbm>> -> memref<40x512xf32, #tpu.memory_space<hbm>>
    %dma_wait3A_67 = arith.constant 0 : i32
    %dma_wait3A_68 = arith.constant 0 : i32
    %dma_wait3A_69 = tpu.memref_slice %arg6[%dma_wait3A, %dma_wait3A_67, %dma_wait3A_68] : memref<5x40x512xf32, #tpu.memory_space<vmem>> -> memref<1x40x512xf32, #tpu.memory_space<vmem>>
    %dma_wait3A_70 = tpu.memref_squeeze %dma_wait3A_69 : memref<1x40x512xf32, #tpu.memory_space<vmem>> -> memref<40x512xf32, #tpu.memory_space<vmem>>
    tpu.wait_dma2 semaphore(%arg12 : memref<!tpu.dma_semaphore, #tpu.memory_space<semaphore_mem>>) src(%dma_wait3A_70 : memref<40x512xf32, #tpu.memory_space<vmem>>) dst(%dma_wait3A_66 : memref<40x512xf32, #tpu.memory_space<hbm>>)
    %add3A_71 = arith.constant 25440 : i32
    %add3A_72 = arith.addi %mul3A_2, %add3A_71 : i32
    %dma_wait3A_73 = arith.constant 1 : i32
    %dma_wait3A_74 = arith.constant 0 : i32
    %dma_wait3A_75 = arith.constant 0 : i32
    %dma_wait3A_76 = tpu.memref_slice %arg6[%dma_wait3A_73, %dma_wait3A_74, %dma_wait3A_75] : memref<5x40x512xf32, #tpu.memory_space<vmem>> -> memref<1x40x512xf32, #tpu.memory_space<vmem>>
    %dma_wait3A_77 = tpu.memref_squeeze %dma_wait3A_76 : memref<1x40x512xf32, #tpu.memory_space<vmem>> -> memref<40x512xf32, #tpu.memory_space<vmem>>
    %dma_wait3A_78 = arith.constant 0 : i32
    %dma_wait3A_79 = tpu.memref_slice %arg4[%add3A_72, %dma_wait3A_78] : memref<819200x512xf32, #tpu.memory_space<hbm>> -> memref<40x512xf32, #tpu.memory_space<hbm>>
    %dma_wait3A_80 = arith.constant 0 : i32
    %dma_wait3A_81 = tpu.memref_slice %arg4[%add3A_72, %dma_wait3A_80] : memref<819200x512xf32, #tpu.memory_space<hbm>> -> memref<40x512xf32, #tpu.memory_space<hbm>>
    %dma_wait3A_82 = arith.constant 0 : i32
    %dma_wait3A_83 = arith.constant 0 : i32
    %dma_wait3A_84 = tpu.memref_slice %arg6[%dma_wait3A_73, %dma_wait3A_82, %dma_wait3A_83] : memref<5x40x512xf32, #tpu.memory_space<vmem>> -> memref<1x40x512xf32, #tpu.memory_space<vmem>>
    %dma_wait3A_85 = tpu.memref_squeeze %dma_wait3A_84 : memref<1x40x512xf32, #tpu.memory_space<vmem>> -> memref<40x512xf32, #tpu.memory_space<vmem>>
    tpu.wait_dma2 semaphore(%arg13 : memref<!tpu.dma_semaphore, #tpu.memory_space<semaphore_mem>>) src(%dma_wait3A_85 : memref<40x512xf32, #tpu.memory_space<vmem>>) dst(%dma_wait3A_81 : memref<40x512xf32, #tpu.memory_space<hbm>>)
    %add3A_86 = arith.constant 25480 : i32
    %add3A_87 = arith.addi %mul3A_2, %add3A_86 : i32
    %dma_wait3A_88 = arith.constant 2 : i32
    %dma_wait3A_89 = arith.constant 0 : i32
    %dma_wait3A_90 = arith.constant 0 : i32
    %dma_wait3A_91 = tpu.memref_slice %arg6[%dma_wait3A_88, %dma_wait3A_89, %dma_wait3A_90] : memref<5x40x512xf32, #tpu.memory_space<vmem>> -> memref<1x40x512xf32, #tpu.memory_space<vmem>>
    %dma_wait3A_92 = tpu.memref_squeeze %dma_wait3A_91 : memref<1x40x512xf32, #tpu.memory_space<vmem>> -> memref<40x512xf32, #tpu.memory_space<vmem>>
    %dma_wait3A_93 = arith.constant 0 : i32
    %dma_wait3A_94 = tpu.memref_slice %arg4[%add3A_87, %dma_wait3A_93] : memref<819200x512xf32, #tpu.memory_space<hbm>> -> memref<40x512xf32, #tpu.memory_space<hbm>>
    %dma_wait3A_95 = arith.constant 0 : i32
    %dma_wait3A_96 = tpu.memref_slice %arg4[%add3A_87, %dma_wait3A_95] : memref<819200x512xf32, #tpu.memory_space<hbm>> -> memref<40x512xf32, #tpu.memory_space<hbm>>
    %dma_wait3A_97 = arith.constant 0 : i32
    %dma_wait3A_98 = arith.constant 0 : i32
    %dma_wait3A_99 = tpu.memref_slice %arg6[%dma_wait3A_88, %dma_wait3A_97, %dma_wait3A_98] : memref<5x40x512xf32, #tpu.memory_space<vmem>> -> memref<1x40x512xf32, #tpu.memory_space<vmem>>
    %dma_wait3A_100 = tpu.memref_squeeze %dma_wait3A_99 : memref<1x40x512xf32, #tpu.memory_space<vmem>> -> memref<40x512xf32, #tpu.memory_space<vmem>>
    tpu.wait_dma2 semaphore(%arg14 : memref<!tpu.dma_semaphore, #tpu.memory_space<semaphore_mem>>) src(%dma_wait3A_100 : memref<40x512xf32, #tpu.memory_space<vmem>>) dst(%dma_wait3A_96 : memref<40x512xf32, #tpu.memory_space<hbm>>)
    %add3A_101 = arith.constant 25520 : i32
    %add3A_102 = arith.addi %mul3A_2, %add3A_101 : i32
    %dma_wait3A_103 = arith.constant 3 : i32
    %dma_wait3A_104 = arith.constant 0 : i32
    %dma_wait3A_105 = arith.constant 0 : i32
    %dma_wait3A_106 = tpu.memref_slice %arg6[%dma_wait3A_103, %dma_wait3A_104, %dma_wait3A_105] : memref<5x40x512xf32, #tpu.memory_space<vmem>> -> memref<1x40x512xf32, #tpu.memory_space<vmem>>
    %dma_wait3A_107 = tpu.memref_squeeze %dma_wait3A_106 : memref<1x40x512xf32, #tpu.memory_space<vmem>> -> memref<40x512xf32, #tpu.memory_space<vmem>>
    %dma_wait3A_108 = arith.constant 0 : i32
    %dma_wait3A_109 = tpu.memref_slice %arg4[%add3A_102, %dma_wait3A_108] : memref<819200x512xf32, #tpu.memory_space<hbm>> -> memref<40x512xf32, #tpu.memory_space<hbm>>
    %dma_wait3A_110 = arith.constant 0 : i32
    %dma_wait3A_111 = tpu.memref_slice %arg4[%add3A_102, %dma_wait3A_110] : memref<819200x512xf32, #tpu.memory_space<hbm>> -> memref<40x512xf32, #tpu.memory_space<hbm>>
    %dma_wait3A_112 = arith.constant 0 : i32
    %dma_wait3A_113 = arith.constant 0 : i32
    %dma_wait3A_114 = tpu.memref_slice %arg6[%dma_wait3A_103, %dma_wait3A_112, %dma_wait3A_113] : memref<5x40x512xf32, #tpu.memory_space<vmem>> -> memref<1x40x512xf32, #tpu.memory_space<vmem>>
    %dma_wait3A_115 = tpu.memref_squeeze %dma_wait3A_114 : memref<1x40x512xf32, #tpu.memory_space<vmem>> -> memref<40x512xf32, #tpu.memory_space<vmem>>
    tpu.wait_dma2 semaphore(%arg15 : memref<!tpu.dma_semaphore, #tpu.memory_space<semaphore_mem>>) src(%dma_wait3A_115 : memref<40x512xf32, #tpu.memory_space<vmem>>) dst(%dma_wait3A_111 : memref<40x512xf32, #tpu.memory_space<hbm>>)
    %add3A_116 = arith.constant 25560 : i32
    %add3A_117 = arith.addi %mul3A_2, %add3A_116 : i32
    %dma_wait3A_118 = arith.constant 4 : i32
    %dma_wait3A_119 = arith.constant 0 : i32
    %dma_wait3A_120 = arith.constant 0 : i32
    %dma_wait3A_121 = tpu.memref_slice %arg6[%dma_wait3A_118, %dma_wait3A_119, %dma_wait3A_120] : memref<5x40x512xf32, #tpu.memory_space<vmem>> -> memref<1x40x512xf32, #tpu.memory_space<vmem>>
    %dma_wait3A_122 = tpu.memref_squeeze %dma_wait3A_121 : memref<1x40x512xf32, #tpu.memory_space<vmem>> -> memref<40x512xf32, #tpu.memory_space<vmem>>
    %dma_wait3A_123 = arith.constant 0 : i32
    %dma_wait3A_124 = tpu.memref_slice %arg4[%add3A_117, %dma_wait3A_123] : memref<819200x512xf32, #tpu.memory_space<hbm>> -> memref<40x512xf32, #tpu.memory_space<hbm>>
    %dma_wait3A_125 = arith.constant 0 : i32
    %dma_wait3A_126 = tpu.memref_slice %arg4[%add3A_117, %dma_wait3A_125] : memref<819200x512xf32, #tpu.memory_space<hbm>> -> memref<40x512xf32, #tpu.memory_space<hbm>>
    %dma_wait3A_127 = arith.constant 0 : i32
    %dma_wait3A_128 = arith.constant 0 : i32
    %dma_wait3A_129 = tpu.memref_slice %arg6[%dma_wait3A_118, %dma_wait3A_127, %dma_wait3A_128] : memref<5x40x512xf32, #tpu.memory_space<vmem>> -> memref<1x40x512xf32, #tpu.memory_space<vmem>>
    %dma_wait3A_130 = tpu.memref_squeeze %dma_wait3A_129 : memref<1x40x512xf32, #tpu.memory_space<vmem>> -> memref<40x512xf32, #tpu.memory_space<vmem>>
    tpu.wait_dma2 semaphore(%arg16 : memref<!tpu.dma_semaphore, #tpu.memory_space<semaphore_mem>>) src(%dma_wait3A_130 : memref<40x512xf32, #tpu.memory_space<vmem>>) dst(%dma_wait3A_126 : memref<40x512xf32, #tpu.memory_space<hbm>>)
    return
  }
}

</mosaic_0001>

<sc_bundles>
// kernel: kernel.3.cloned.1.call-start
scs
__scs_entry_jumppad:
0x0: {  	(pc) =	sbr.rel $0x88, $3  }
0x1: {  	(tag) =	ssettag $0x0;
	lr =	simm.s32 $0x1  }
0x2: {  	[smem:$0x3F9F] =	sst lr;
	_ =	strace $0xD0000000  }
0x3: {  	_ = 	snop  }
0x4: {  	_ = 	snop  }
0x5: {  	_ = 	snop  }
0x6: {  	_ = 	snop  }
0x7: {  	_ = 	snop  }
__scs_overlays_trampoline_lowered:
0x8: {  	[smem:$0x3FAE] =	sst s0  }
0x9: {  	[smem:$0x3FAF] =	sst s1  }
0xa: {  	[smem:$0x3FB0] =	sst s2  }
0xb: {  	[smem:$0x3FB1] =	sst s3  }
0xc: {  	[smem:$0x3FB2] =	sst s4  }
0xd: {  	[smem:$0x3FB3] =	sst s5  }
0xe: {  	[smem:$0x3FB4] =	sst s6  }
0xf: {  	[smem:$0x3FB5] =	sst s7  }
0x10: {  	[smem:$0x3FB6] =	sst s8  }
0x11: {  	[smem:$0x3FB7] =	sst s9;
	s0 =	simm.s32 @!p0 $0x0  }
0x12: {  	s1 =	sld [smem:$0x3F9D];
	s0 =	simm.s32 @p0 $0x1  }
0x13: {  	[smem:$0x3FB8] =	sst s0;
	s0 =	simm.s32 @!p1 $0x0  }
0x14: {  	s2 =	sld [smem:$0x3F9C];
	s0 =	simm.s32 @p1 $0x1  }
0x15: {  	[smem:$0x3FB9] =	sst s0;
	s0 =	simm.s32 @!p2 $0x0  }
0x16: {  	s3 =	sld [smem:$0x3FDB];
	s0 =	simm.s32 @p2 $0x1  }
0x17: {  	s4 =	simm.s32 $0x1BF5;
	[smem:$0x3FBB] =	sst s0  }
0x18: {  	s0 =	sld [smem:$0x3F9E];
	_ =	swait.ge [sflag:s4], $0x0  }
0x19: {  	s7 =	sld [smem:$0x3F9F]  }
0x1a: {  	s8 =	sadd.s32 $0xFFFFE003, lr  }
0x1b: {  	s9 =	sadd.s32 $0xFFFFFEF7, lr;
	s5 =	simm.s32 $0xFFFFFFFF;
	p2 =	slt.u32 s8, $0xFFFFF086  }
0x1c: {  	p1 =	slt.u32 s9, $0xF7A;
	s5 =	simm.s32 @!p2 $0x0  }
0x1d: {  	s5 =	simm.s32 @p1 $0x1;
	p0 =	seq.s32 s7, s2  }
0x1e: {  	s7 =	smul.u32 @!p0 $0xF7A, s2;
	p2 =	seq.s32 @!p0 s5, $0x0  }
0x1f: {  	s9 =	smul.u32 $0xF7A, s1;
	s8 =	simm.s32 @!p0 $0x1BF5;
	p2 =	por !p2, p0  }
0x20: {  	[sflag:s8] =	ssyncset.s32 @!p0 $0xFFFFF086;
	s6 =	sadd.s32 @!p0 s3, s7;
	s7 =	simm.s32 @!p0 $0x108  }
0x21: {  	s3 =	sadd.s32 s3, s9;
	s6 =	sadd.s32 @!p0 $0x88, s6;
	s7 =	simm.s32 @p2 $0x1082  }
0x22: {  	[simem:s7], [sflag:s8] =	dma.local @!p0 [hbm:s6], $0xF7A  }
0x23: {  	s9 =	sor.u32 $0xD0000000, s2;
	s6 =	simm.s32 $0x108;
	_ =	swait.ge @!p0 [sflag:s8], $0x0  }
0x24: {  	s3 =	sadd.s32 $0x88, s3;
	s6 =	simm.s32 @!p1 $0x1082;
	[sflag:s4] =	ssyncset.s32 $0xFFFFF086  }
0x25: {  	[simem:s6], [sflag:s4] =	dma.local [hbm:s3], $0xF7A  }
0x26: {  	[smem:$0x3F9F] =	sst s1;
	(tag) =	ssettag s2;
	_ =	strace s9  }
0x27: {  	s1 =	sld [smem:$0x3FAF]  }
0x28: {  	s2 =	sld [smem:$0x3FB0]  }
0x29: {  	s4 =	sld [smem:$0x3FB2]  }
0x2a: {  	p0 =	seq.s32 s5, $0x0;
	s5 =	sld [smem:$0x3FB3]  }
0x2b: {  	s6 =	sld [smem:$0x3FB4]  }
0x2c: {  	s7 =	sld [smem:$0x3FB5]  }
0x2d: {  	s3 =	simm.s32 $0x108;
	s8 =	sld [smem:$0x3FB6]  }
0x2e: {  	s3 =	simm.s32 @!p0 $0x1082;
	s9 =	sld [smem:$0x3FB7]  }
0x2f: {  	lr =	sadd.s32 s0, s3;
	s0 =	sld [smem:$0x3FAE]  }
0x30: {  	s3 =	sld [smem:$0x3FB1]  }
0x31: {  	[smem:$0x3FBA] =	sst s10  }
0x32: {  	s10 =	sld [smem:$0x3FB8];
	_ =	sdelay $0x3  }
0x33: {  	p0 =	seq.s32 s10, $0x1;
	s10 =	sld [smem:$0x3FBA];
	_ =	sdelay $0x3  }
0x34: {  	[smem:$0x3FBA] =	sst s10  }
0x35: {  	s10 =	sld [smem:$0x3FB9];
	_ =	sdelay $0x3  }
0x36: {  	p1 =	seq.s32 s10, $0x1;
	s10 =	sld [smem:$0x3FBA];
	_ =	sdelay $0x3  }
0x37: {  	[smem:$0x3FBA] =	sst s10  }
0x38: {  	s10 =	sld [smem:$0x3FBB]  }
0x39: {  	_ = 	snop;
	(pc) =	sbr.ind lr, $3  }
0x3a: {  	_ = 	snop  }
0x3b: {  	_ = 	snop  }
0x3c: {  	p2 =	seq.s32 s10, $0x1;
	s10 =	sld [smem:$0x3FBA]  }
0x3d: {  	_ =	shalt  }
0x3e: {  	_ =	shalt  }
0x3f: {  	_ =	shalt  }
0x40: {  	_ =	shalt  }
0x41: {  	_ =	shalt  }
0x42: {  	_ =	shalt  }
0x43: {  	_ =	shalt  }
0x44: {  	_ =	shalt  }
0x45: {  	_ =	shalt  }
0x46: {  	_ =	shalt  }
0x47: {  	_ =	shalt  }
0x48: {  	_ =	shalt  }
0x49: {  	_ =	shalt  }
0x4a: {  	_ =	shalt  }
0x4b: {  	_ =	shalt  }
0x4c: {  	_ =	shalt  }
0x4d: {  	_ =	shalt  }
0x4e: {  	_ =	shalt  }
0x4f: {  	_ =	shalt  }
0x50: {  	_ =	shalt  }
0x51: {  	_ =	shalt  }
0x52: {  	_ =	shalt  }
0x53: {  	_ =	shalt  }
0x54: {  	_ =	shalt  }
0x55: {  	_ =	shalt  }
0x56: {  	_ =	shalt  }
0x57: {  	_ =	shalt  }
0x58: {  	_ =	shalt  }
0x59: {  	_ =	shalt  }
0x5a: {  	_ =	shalt  }
0x5b: {  	_ =	shalt  }
0x5c: {  	_ =	shalt  }
0x5d: {  	_ =	shalt  }
0x5e: {  	_ =	shalt  }
0x5f: {  	_ =	shalt  }
0x60: {  	_ =	shalt  }
0x61: {  	_ =	shalt  }
0x62: {  	_ =	shalt  }
0x63: {  	_ =	shalt  }
0x64: {  	_ =	shalt  }
0x65: {  	_ =	shalt  }
0x66: {  	_ =	shalt  }
0x67: {  	_ =	shalt  }
0x68: {  	_ =	shalt  }
0x69: {  	_ =	shalt  }
0x6a: {  	_ =	shalt  }
0x6b: {  	_ =	shalt  }
0x6c: {  	_ =	shalt  }
0x6d: {  	_ =	shalt  }
0x6e: {  	_ =	shalt  }
0x6f: {  	_ =	shalt  }
0x70: {  	_ =	shalt  }
0x71: {  	_ =	shalt  }
0x72: {  	_ =	shalt  }
0x73: {  	_ =	shalt  }
0x74: {  	_ =	shalt  }
0x75: {  	_ =	shalt  }
0x76: {  	_ =	shalt  }
0x77: {  	_ =	shalt  }
0x78: {  	_ =	shalt  }
0x79: {  	_ =	shalt  }
0x7a: {  	_ =	shalt  }
0x7b: {  	_ =	shalt  }
0x7c: {  	_ =	shalt  }
0x7d: {  	_ =	shalt  }
0x7e: {  	_ =	shalt  }
0x7f: {  	_ =	shalt  }
0x80: {  	_ =	shalt  }
0x81: {  	_ =	shalt  }
0x82: {  	_ =	shalt  }
0x83: {  	_ =	shalt  }
0x84: {  	_ =	shalt  }
0x85: {  	_ =	shalt  }
0x86: {  	_ =	shalt  }
0x87: {  	_ =	shalt  }
.Lfunc_end0:
.L_simem_size_0:
called_computation_lowered:
.L_overlay_start_0:
0x88: {  	s2 =	sld [smem:$0x3FD9]  }
0x89: {  	s3 =	sld [smem:$0x3FFE];
	_ =	sdelay $0x1  }
0x8a: {  	s1 =	srdreg.scid  }
0x8b: {  	s0 =	sand.u32 $0x1, s1  }
0x8c: {  	s17 =	sshll.u32 s0, $0xA;
	s2 =	sadd.s32 s3, s2  }
0x8d: {  	s2 =	sadd.s32 s2, s17  }
0x8e: {  	[smem:$0x3FC6] =	sst s2  }
0x8f: {  	_ = 	snop  }
0x90: {  	s2 =	sld [smem:$0x3FC8]  }
0x91: {  	s18 =	sld [smem:$0x3FD0];
	(tm) =	ssettm $0x1  }
0x92: {  	s4 =	sld [smem:$0x3FFB];
	_ =	sdelay $0x3  }
0x93: {  	_ =	strace s4  }
0x94: {  	s4 =	sld [smem:$0x3FFC];
	_ =	sdelay $0x3  }
0x95: {  	_ =	strace s4  }
0x96: {  	s4 =	sld [smem:$0x3FFD];
	_ =	sdelay $0x3  }
0x97: {  	_ =	strace s4  }
0x98: {  	_ =	strace $0x8FFFFFFF  }
0x99: {  	s19 =	sld [smem:$0x3FDB];
	_ =	sdelay $0x1  }
0x9a: {  	s5 =	simm.s32 $_scs_section_size  }
0x9b: {  	s6 =	simm.s32 $_size__tile_overlayer_lowered;
	s7 =	simm.s32 $_tile_overlayer_lowered  }
0x9c: {  	s22 =	simm.s32 $0x1BFF;
	s21 =	sshll.u32 s7, $0x1;
	s4 =	sadd.s32 s5, s19  }
0x9d: {  	s8 =	simm.s32 $0x0;
	s20 =	sshll.u32 s6, $0x1;
	s6 =	sadd.s32 s21, s4  }
0x9e: {  	[timem:s8], [sflag:s22] =	dma.local [hbm:s6], s20  }
0x9f: {  	_ =	swait.ge [sflag:s22], s20  }
0xa0: {  	s5 =	ssub.s32 $0x0, s20;
	[sflag:s22] =	ssyncset.done $0x0  }
0xa1: {  	[sflag:s22] =	ssyncadd.s32 s5;
	_ =	sdelay $0x1  }
0xa2: {  	s23 =	simm.s32 $0x1B8B  }
0xa3: {  	_ =	swait.ge [sflag:s23], $0x1  }
0xa4: {  	[sflag:s23] =	ssyncset.done $0x0  }
0xa5: {  	s25 =	simm.s32 $0x1B8E;
	s24 =	sld [smem:$0x3FFE];
	[sflag:s23] =	ssyncadd.s32 $0xFFFFFFFF  }
0xa6: {  	s26 =	simm.s32 $execute0_lowered;
	[smem:$0x3FD2] =	sst s25  }
0xa7: {  	s6 =	sshll.u32 s26, $0x1;
	_ =	strace $0x80000046;
	[dreg:$0x1] =	wrdreg $0xFFFFFFFF  }
0xa8: {  	s28 =	simm.s32 $_size_execute0_lowered;
	s4 =	sadd.s32 s4, s6;
	[dreg:$0x0] =	wrdreg $0x0  }
0xa9: {  	s6 =	sshll.u32 s28, $0x1;
	[dreg:$0x2] =	wrdreg s4  }
0xaa: {  	[dreg:$0x3] =	wrdreg s6  }
0xab: {  	[dreg:$0x4] =	wrdreg $0xC0  }
0xac: {  	_ =	task [dreg:s8], $0x5FFFF  }
0xad: {  	[dreg:$0x1] =	wrdreg $0xFFFFFFFF  }
0xae: {  	[dreg:$0x0] =	wrdreg $0x60  }
0xaf: {  	[dreg:$0x2] =	wrdreg s24  }
0xb0: {  	[dreg:$0x3] =	wrdreg s2  }
0xb1: {  	[dreg:$0x4] =	wrdreg s18  }
0xb2: {  	[dreg:$0x5] =	wrdreg $0x9  }
0xb3: {  	_ =	task.clear_ibuf [dreg:s8], $0x6FFFF;
	_ =	strace $0x90000046  }
0xb4: {  	s29 =	simm.s32 $0x9;
	_ =	strace $0x80000048  }
0xb5: {  	_ =	swait.ge [sflag:s29], $0x1  }
0xb6: {  	[sflag:s29] =	ssyncadd.s32 $0xFFFFFFFF  }
0xb7: {  	_ =	strace $0x90000048  }
0xb8: {  	_ =	sfence  }
0xb9: {  	s30 =	sld [smem:$0x0];
	_ =	sdelay $0x2  }
0xba: {  	s31 =	sshll.u32 s1, $0xD;
	s1 =	sshrl.u32 s1, $0x2  }
0xbb: {  	s3 =	sand.u32 $0x4000, s31;
	s1 =	sadd.s32 s1, s30  }
0xbc: {  	s0 =	sor.u32 s3, s0;
	s1 =	sshll.u32 s1, $0x11  }
0xbd: {  	s0 =	sor.u32 s1, s0  }
0xbe: {  	s0 =	sadd.s32 $0x8F2B, s0  }
0xbf: {  	[sflag:s0] =	ssyncadd.remote.s32 $0x1  }
0xc0: {  	_ =	sfence.sel $0xFFFF  }
0xc1: {  	[dreg:$0x0] =	wrdreg $0xFFFFFFFF;
	(pc) =	sbr.abs _section_cstart, $3  }
0xc2: {  	[dreg:$0x1] =	wrdreg $0xFFFFFFFF  }
0xc3: {  	_ =	task.clear_ibuf [dreg:s8], $0x2FFFF;
	_ =	strace $0x9FFFFFFF  }
0xc4: {  	(tm) =	ssettm $0x7FFFFFFF  }
0xc5: {  	_ =	shalt  }
tec
execute0_lowered:
.L_overlay_start_1:
0x0: {  	(tag) =	ssettag $0x1  }
0x1: {  	s0 =	rddreg [dreg:$0x0]  }
0x2: {  	s2 =	rddreg [dreg:$0x1]  }
0x3: {  	s1 =	rddreg [dreg:$0x2];
	s3 =	srdreg.scid  }
0x4: {  	s8 =	stileid.u32;
	s11 =	simm.s32 $0x6400;
	s21 =	simm.s32 $0xB400  }
0x5: {  	s15 =	simm.s32 $0x15400;
	s29 =	simm.s32 $0x1B400;
	s30 =	simm.s32 $0x1BC00  }
0x6: {  	s31 =	simm.s32 $0x1C400;
	s9 =	simm.s32 $0x1DC00;
	s10 =	simm.s32 $0x1  }
0x7: {  	s12 =	simm.s32 $0x2;
	s13 =	simm.s32 $0x3;
	s14 =	simm.s32 $0x4  }
0x8: {  	s16 =	simm.s32 $0x5;
	s17 =	simm.s32 $0x6;
	s18 =	simm.s32 $0x7  }
0x9: {  	s19 =	simm.s32 $0x8;
	s20 =	simm.s32 $0x9;
	s22 =	simm.s32 $0xA  }
0xa: {  	s4 =	sand.u32 $0x1, s3;
	s5 =	sshrl.u32 s8, $0x2;
	s6 =	sshll.u32 s8, $0x8  }
0xb: {  	s3 =	simm.s32 $0x0;
	s8 =	smul.u32 $0x320000, s8;
	s7 =	sshll.u32 s4, $0x7  }
0xc: {  	s5 =	smul.u32 $0x32000, s5;
	[smem:$0x7FF] =	sst s3;
	s24 =	ssub.s32 $0x2, s4  }
0xd: {  	s4 =	smul.u32 $0x190000, s4;
	s6 =	sor.u32 s7, s6;
	_ =	strace $0x80000047  }
0xe: {  	s25 =	sshrl.u32 s24, $0x1;
	s26 =	sadd.s32 s8, s1;
	s1 =	simm.s32 $0x1CC00  }
0xf: {  	s8 =	simm.s32 $0x1D400;
	s6 =	sand.u32 $0x380, s6;
	s7 =	sadd.s32 s4, s26  }
.Ltmp0:
0x10: {  	s26 =	simm.s32 $0x1A400;
	s5 =	sor.u32 s5, s6;
	(pc) =	sbr.rel .LBB2_1-.Ltmp0, $4  }
0x11: {  	s4 =	simm.s32 $0x1E400;
	s6 =	ssub.s32 s24, s25;
	s5 =	sshrl.u32 s5, $0x3  }
0x12: {  	v2 =	vlaneseq.u32;
	s24 =	simm.s32 $0x0;
	s28 =	smax.u32 s6, $0x1;
	s0 =	sadd.s32 s5, s0  }
0x13: {  	vm0 =	vmmov $0xffff;
	v1 =	vshrl.u32 v2, $0x3;
	s6 =	simm.s32 $0x1EC00;
	[dreg:$0x5] =	wrdreg s28;
	s0 =	sadd.s32 $0x400, s0  }
0x14: {  	v0 =	vand.u32 $0x7, v2;
	v2 =	vor.u32 $0x8, v2;
	v1 =	vmul.u32 $0x8, v1;
	s5 =	sadd.s32 $0x100, s2;
	[dreg:$0x4] =	wrdreg s0;
	s0 =	simm.s32 $0x10400  }
.LBB2_4:
0x15: {  	_ =	swait.ge [sflag:s17], $0x5000  }
0x16: {  	[sflag:s17] =	ssyncset.done $0x0  }
0x17: {  	[sflag:s17] =	ssyncadd.s32 $0xFFFFB000  }
0x18: {  	_ =	swait.ge [sflag:s18], $0x5000  }
0x19: {  	[sflag:s18] =	ssyncset.done $0x0  }
0x1a: {  	[sflag:s18] =	ssyncadd.s32 $0xFFFFB000  }
0x1b: {  	_ =	swait.ge [sflag:s19], $0x5000  }
0x1c: {  	[sflag:s19] =	ssyncset.done $0x0  }
0x1d: {  	[sflag:s19] =	ssyncadd.s32 $0xFFFFB000  }
0x1e: {  	_ =	swait.ge [sflag:s20], $0x5000  }
0x1f: {  	[sflag:s20] =	ssyncset.done $0x0  }
0x20: {  	[sflag:s20] =	ssyncadd.s32 $0xFFFFB000  }
0x21: {  	_ =	swait.ge [sflag:s22], $0x5000  }
0x22: {  	s24 =	rddreg [dreg:$0x6]  }
0x23: {  	s23 =	rddreg [dreg:$0x5];
	s24 =	sadd.s32 $0x1, s24  }
0x24: {  	p0 =	sne.s32 s24, s23  }
.Ltmp1:
0x25: {  	_ = 	snop;
	(pc) =	sbr.rel @!p0 .LBB2_5-.Ltmp1, $3  }
0x26: {  	_ =	sdelay $0x1  }
0x27: {  	[sflag:s22] =	ssyncset.done $0x0  }
0x28: {  	[sflag:s22] =	ssyncadd.s32 $0xFFFFB000  }
.LBB2_1:
0x29: {  	s23 =	rddreg [dreg:$0x4];
	s28 =	simm.s32 $0x80;
	s25 =	simm.s32 $0x400  }
0x2a: {  	[tilespmem:s3], [sflag:$0xB] =	stream.strided.gather [hbm4b:s23+s28], $0x6400, s25, s28, $0x38;
	[tilespmem:$0x1F400] =	vst v63  }
0x2b: {  	[dreg:$0x6] =	wrdreg s24;
	s25 =	simm.s32 $0xB  }
0x2c: {  	_ =	swait.ge [sflag:s25], $0x6400  }
0x2d: {  	[sflag:s25] =	ssyncset.done $0x0  }
0x2e: {  	[sflag:s25] =	ssyncadd.s32 $0xFFFF9C00  }
0x2f: {  	v3 =	vld [tilespmem:$0x0];
	_ =	sdelay $0x4  }
0x30: {  	v4 =	vshll.u32 v3, $0x2  }
0x31: {  	v3 =	vand.u32 $0x7, v3;
	v4 =	vand.u32 $0xFFFFFFE0, v4  }
0x32: {  	v3 =	vor.u32 v3, v4  }
0x33: {  	v4 =	vperm.xlane v3, v0;
	_ =	sdelay $0x1  }
0x34: {  	v4 =	vadd.s32 v1, v4;
	_ =	sdelay $0x1  }
0x35: {  	v3 =	vperm.xlane v3, v2;
	_ =	sdelay $0x1  }
0x36: {  	v3 =	vadd.s32 v1, v3  }
0x37: {  	[tilespmem:s11], [sflag:$0x1] =	stream.indirect_vreg.gather [hbm4b:s2+s3], $0x80, v4, vm0, $0xb8;
	[tilespmem:$0x1F400] =	vst v63  }
0x38: {  	s28 =	simm.s32 $0x6C00  }
0x39: {  	[tilespmem:s28], [sflag:$0x1] =	stream.indirect_vreg.gather [hbm4b:s5+s3], $0x80, v4, vm0, $0xb8;
	[tilespmem:$0x1F400] =	vst v63  }
0x3a: {  	s24 =	simm.s32 $0x7400  }
0x3b: {  	[tilespmem:s24], [sflag:$0x1] =	stream.indirect_vreg.gather [hbm4b:s2+s3], $0x80, v3, vm0, $0xb8;
	[tilespmem:$0x1F400] =	vst v63  }
0x3c: {  	s25 =	simm.s32 $0x7C00  }
0x3d: {  	[tilespmem:s25], [sflag:$0x1] =	stream.indirect_vreg.gather [hbm4b:s5+s3], $0x80, v3, vm0, $0xb8;
	[tilespmem:$0x1F400] =	vst v63  }
0x3e: {  	v3 =	vld [tilespmem:$0x10];
	_ =	sdelay $0x4  }
0x3f: {  	v50 =	vshll.u32 v3, $0x2  }
0x40: {  	v3 =	vand.u32 $0x7, v3;
	v4 =	vand.u32 $0xFFFFFFE0, v50  }
0x41: {  	v3 =	vor.u32 v3, v4  }
0x42: {  	v4 =	vperm.xlane v3, v0;
	_ =	sdelay $0x1  }
0x43: {  	v4 =	vadd.s32 v1, v4;
	_ =	sdelay $0x1  }
0x44: {  	v3 =	vperm.xlane v3, v2;
	_ =	sdelay $0x1  }
0x45: {  	s28 =	simm.s32 $0x8400;
	v3 =	vadd.s32 v1, v3  }
0x46: {  	[tilespmem:s28], [sflag:$0x1] =	stream.indirect_vreg.gather [hbm4b:s2+s3], $0x80, v4, vm0, $0xb8;
	[tilespmem:$0x1F400] =	vst v63  }
0x47: {  	s24 =	simm.s32 $0x8C00  }
0x48: {  	[tilespmem:s24], [sflag:$0x1] =	stream.indirect_vreg.gather [hbm4b:s5+s3], $0x80, v4, vm0, $0xb8;
	[tilespmem:$0x1F400] =	vst v63  }
0x49: {  	s25 =	simm.s32 $0x9400  }
0x4a: {  	[tilespmem:s25], [sflag:$0x1] =	stream.indirect_vreg.gather [hbm4b:s2+s3], $0x80, v3, vm0, $0xb8;
	[tilespmem:$0x1F400] =	vst v63  }
0x4b: {  	s28 =	simm.s32 $0x9C00  }
0x4c: {  	[tilespmem:s28], [sflag:$0x1] =	stream.indirect_vreg.gather [hbm4b:s5+s3], $0x80, v3, vm0, $0xb8;
	[tilespmem:$0x1F400] =	vst v63  }
0x4d: {  	v3 =	vld.msk [tilespmem:$0x20], $0xff;
	_ =	sdelay $0x4  }
0x4e: {  	v51 =	vshll.u32 v3, $0x2  }
0x4f: {  	v3 =	vand.u32 $0x7, v3;
	v4 =	vand.u32 $0xFFFFFFE0, v51  }
0x50: {  	v3 =	vor.u32 v3, v4  }
0x51: {  	v3 =	vperm.xlane v3, v0;
	_ =	sdelay $0x1  }
0x52: {  	v3 =	vadd.s32 v1, v3;
	_ =	sdelay $0x3  }
0x53: {  	s24 =	simm.s32 $0xA400  }
0x54: {  	[tilespmem:s24], [sflag:$0x1] =	stream.indirect_vreg.gather [hbm4b:s2+s3], $0x80, v3, vm0, $0xb8;
	[tilespmem:$0x1F400] =	vst v63  }
0x55: {  	s25 =	simm.s32 $0xAC00  }
0x56: {  	[tilespmem:s25], [sflag:$0x1] =	stream.indirect_vreg.gather [hbm4b:s5+s3], $0x80, v3, vm0, $0xb8;
	[tilespmem:$0x1F400] =	vst v63  }
0x57: {  	v3 =	vld [tilespmem:$0x28];
	_ =	sdelay $0x4  }
0x58: {  	v52 =	vshll.u32 v3, $0x2  }
0x59: {  	v3 =	vand.u32 $0x7, v3;
	v4 =	vand.u32 $0xFFFFFFE0, v52  }
0x5a: {  	v3 =	vor.u32 v3, v4  }
0x5b: {  	v4 =	vperm.xlane v3, v0;
	_ =	sdelay $0x1  }
0x5c: {  	v4 =	vadd.s32 v1, v4;
	_ =	sdelay $0x1  }
0x5d: {  	v3 =	vperm.xlane v3, v2;
	_ =	sdelay $0x1  }
0x5e: {  	v3 =	vadd.s32 v1, v3  }
0x5f: {  	[tilespmem:s21], [sflag:$0x2] =	stream.indirect_vreg.gather [hbm4b:s2+s3], $0x80, v4, vm0, $0xb8;
	[tilespmem:$0x1F400] =	vst v63  }
0x60: {  	s28 =	simm.s32 $0xBC00  }
0x61: {  	[tilespmem:s28], [sflag:$0x2] =	stream.indirect_vreg.gather [hbm4b:s5+s3], $0x80, v4, vm0, $0xb8;
	[tilespmem:$0x1F400] =	vst v63  }
0x62: {  	s24 =	simm.s32 $0xC400  }
0x63: {  	[tilespmem:s24], [sflag:$0x2] =	stream.indirect_vreg.gather [hbm4b:s2+s3], $0x80, v3, vm0, $0xb8;
	[tilespmem:$0x1F400] =	vst v63  }
0x64: {  	s25 =	simm.s32 $0xCC00  }
0x65: {  	[tilespmem:s25], [sflag:$0x2] =	stream.indirect_vreg.gather [hbm4b:s5+s3], $0x80, v3, vm0, $0xb8;
	[tilespmem:$0x1F400] =	vst v63  }
0x66: {  	v3 =	vld [tilespmem:$0x38];
	_ =	sdelay $0x4  }
0x67: {  	v53 =	vshll.u32 v3, $0x2  }
0x68: {  	v3 =	vand.u32 $0x7, v3;
	v4 =	vand.u32 $0xFFFFFFE0, v53  }
0x69: {  	v3 =	vor.u32 v3, v4  }
0x6a: {  	v4 =	vperm.xlane v3, v0;
	_ =	sdelay $0x1  }
0x6b: {  	v4 =	vadd.s32 v1, v4;
	_ =	sdelay $0x1  }
0x6c: {  	v3 =	vperm.xlane v3, v2;
	_ =	sdelay $0x1  }
0x6d: {  	s28 =	simm.s32 $0xD400;
	v3 =	vadd.s32 v1, v3  }
0x6e: {  	[tilespmem:s28], [sflag:$0x2] =	stream.indirect_vreg.gather [hbm4b:s2+s3], $0x80, v4, vm0, $0xb8;
	[tilespmem:$0x1F400] =	vst v63  }
0x6f: {  	s24 =	simm.s32 $0xDC00  }
0x70: {  	[tilespmem:s24], [sflag:$0x2] =	stream.indirect_vreg.gather [hbm4b:s5+s3], $0x80, v4, vm0, $0xb8;
	[tilespmem:$0x1F400] =	vst v63  }
0x71: {  	s25 =	simm.s32 $0xE400  }
0x72: {  	[tilespmem:s25], [sflag:$0x2] =	stream.indirect_vreg.gather [hbm4b:s2+s3], $0x80, v3, vm0, $0xb8;
	[tilespmem:$0x1F400] =	vst v63  }
0x73: {  	s28 =	simm.s32 $0xEC00  }
0x74: {  	[tilespmem:s28], [sflag:$0x2] =	stream.indirect_vreg.gather [hbm4b:s5+s3], $0x80, v3, vm0, $0xb8;
	[tilespmem:$0x1F400] =	vst v63  }
0x75: {  	v3 =	vld.msk [tilespmem:$0x48], $0xff;
	_ =	sdelay $0x4  }
0x76: {  	v54 =	vshll.u32 v3, $0x2  }
0x77: {  	v3 =	vand.u32 $0x7, v3;
	v4 =	vand.u32 $0xFFFFFFE0, v54  }
0x78: {  	v3 =	vor.u32 v3, v4  }
0x79: {  	v3 =	vperm.xlane v3, v0;
	_ =	sdelay $0x1  }
0x7a: {  	v3 =	vadd.s32 v1, v3;
	_ =	sdelay $0x3  }
0x7b: {  	s24 =	simm.s32 $0xF400  }
0x7c: {  	[tilespmem:s24], [sflag:$0x2] =	stream.indirect_vreg.gather [hbm4b:s2+s3], $0x80, v3, vm0, $0xb8;
	[tilespmem:$0x1F400] =	vst v63  }
0x7d: {  	s25 =	simm.s32 $0xFC00  }
0x7e: {  	[tilespmem:s25], [sflag:$0x2] =	stream.indirect_vreg.gather [hbm4b:s5+s3], $0x80, v3, vm0, $0xb8;
	[tilespmem:$0x1F400] =	vst v63  }
0x7f: {  	v3 =	vld [tilespmem:$0x50];
	_ =	sdelay $0x4  }
0x80: {  	v55 =	vshll.u32 v3, $0x2  }
0x81: {  	v3 =	vand.u32 $0x7, v3;
	v4 =	vand.u32 $0xFFFFFFE0, v55  }
0x82: {  	v3 =	vor.u32 v3, v4  }
0x83: {  	v4 =	vperm.xlane v3, v0;
	_ =	sdelay $0x1  }
0x84: {  	v4 =	vadd.s32 v1, v4;
	_ =	sdelay $0x1  }
0x85: {  	v3 =	vperm.xlane v3, v2;
	_ =	sdelay $0x1  }
0x86: {  	v3 =	vadd.s32 v1, v3  }
0x87: {  	[tilespmem:s0], [sflag:$0x3] =	stream.indirect_vreg.gather [hbm4b:s2+s3], $0x80, v4, vm0, $0xb8;
	[tilespmem:$0x1F400] =	vst v63  }
0x88: {  	s28 =	simm.s32 $0x10C00  }
0x89: {  	[tilespmem:s28], [sflag:$0x3] =	stream.indirect_vreg.gather [hbm4b:s5+s3], $0x80, v4, vm0, $0xb8;
	[tilespmem:$0x1F400] =	vst v63  }
0x8a: {  	s24 =	simm.s32 $0x11400  }
0x8b: {  	[tilespmem:s24], [sflag:$0x3] =	stream.indirect_vreg.gather [hbm4b:s2+s3], $0x80, v3, vm0, $0xb8;
	[tilespmem:$0x1F400] =	vst v63  }
0x8c: {  	s25 =	simm.s32 $0x11C00  }
0x8d: {  	[tilespmem:s25], [sflag:$0x3] =	stream.indirect_vreg.gather [hbm4b:s5+s3], $0x80, v3, vm0, $0xb8;
	[tilespmem:$0x1F400] =	vst v63  }
0x8e: {  	v3 =	vld [tilespmem:$0x60];
	_ =	sdelay $0x4  }
0x8f: {  	v56 =	vshll.u32 v3, $0x2  }
0x90: {  	v3 =	vand.u32 $0x7, v3;
	v4 =	vand.u32 $0xFFFFFFE0, v56  }
0x91: {  	v3 =	vor.u32 v3, v4  }
0x92: {  	v4 =	vperm.xlane v3, v0;
	_ =	sdelay $0x1  }
0x93: {  	v4 =	vadd.s32 v1, v4;
	_ =	sdelay $0x1  }
0x94: {  	v3 =	vperm.xlane v3, v2;
	_ =	sdelay $0x1  }
0x95: {  	s28 =	simm.s32 $0x12400;
	v3 =	vadd.s32 v1, v3  }
0x96: {  	[tilespmem:s28], [sflag:$0x3] =	stream.indirect_vreg.gather [hbm4b:s2+s3], $0x80, v4, vm0, $0xb8;
	[tilespmem:$0x1F400] =	vst v63  }
0x97: {  	s24 =	simm.s32 $0x12C00  }
0x98: {  	[tilespmem:s24], [sflag:$0x3] =	stream.indirect_vreg.gather [hbm4b:s5+s3], $0x80, v4, vm0, $0xb8;
	[tilespmem:$0x1F400] =	vst v63  }
0x99: {  	s25 =	simm.s32 $0x13400  }
0x9a: {  	[tilespmem:s25], [sflag:$0x3] =	stream.indirect_vreg.gather [hbm4b:s2+s3], $0x80, v3, vm0, $0xb8;
	[tilespmem:$0x1F400] =	vst v63  }
0x9b: {  	s28 =	simm.s32 $0x13C00  }
0x9c: {  	[tilespmem:s28], [sflag:$0x3] =	stream.indirect_vreg.gather [hbm4b:s5+s3], $0x80, v3, vm0, $0xb8;
	[tilespmem:$0x1F400] =	vst v63  }
0x9d: {  	v3 =	vld.msk [tilespmem:$0x70], $0xff;
	_ =	sdelay $0x4  }
0x9e: {  	v57 =	vshll.u32 v3, $0x2  }
0x9f: {  	v3 =	vand.u32 $0x7, v3;
	v4 =	vand.u32 $0xFFFFFFE0, v57  }
0xa0: {  	v3 =	vor.u32 v3, v4  }
0xa1: {  	v3 =	vperm.xlane v3, v0;
	_ =	sdelay $0x1  }
0xa2: {  	v3 =	vadd.s32 v1, v3;
	_ =	sdelay $0x3  }
0xa3: {  	s24 =	simm.s32 $0x14400  }
0xa4: {  	[tilespmem:s24], [sflag:$0x3] =	stream.indirect_vreg.gather [hbm4b:s2+s3], $0x80, v3, vm0, $0xb8;
	[tilespmem:$0x1F400] =	vst v63  }
0xa5: {  	s25 =	simm.s32 $0x14C00  }
0xa6: {  	[tilespmem:s25], [sflag:$0x3] =	stream.indirect_vreg.gather [hbm4b:s5+s3], $0x80, v3, vm0, $0xb8;
	[tilespmem:$0x1F400] =	vst v63  }
0xa7: {  	v3 =	vld [tilespmem:$0x78];
	_ =	sdelay $0x4  }
0xa8: {  	v58 =	vshll.u32 v3, $0x2  }
0xa9: {  	v3 =	vand.u32 $0x7, v3;
	v4 =	vand.u32 $0xFFFFFFE0, v58  }
0xaa: {  	v3 =	vor.u32 v3, v4  }
0xab: {  	v4 =	vperm.xlane v3, v0;
	_ =	sdelay $0x1  }
0xac: {  	v4 =	vadd.s32 v1, v4;
	_ =	sdelay $0x1  }
0xad: {  	v3 =	vperm.xlane v3, v2;
	_ =	sdelay $0x1  }
0xae: {  	v3 =	vadd.s32 v1, v3  }
0xaf: {  	[tilespmem:s15], [sflag:$0x4] =	stream.indirect_vreg.gather [hbm4b:s2+s3], $0x80, v4, vm0, $0xb8;
	[tilespmem:$0x1F400] =	vst v63  }
0xb0: {  	s28 =	simm.s32 $0x15C00  }
0xb1: {  	[tilespmem:s28], [sflag:$0x4] =	stream.indirect_vreg.gather [hbm4b:s5+s3], $0x80, v4, vm0, $0xb8;
	[tilespmem:$0x1F400] =	vst v63  }
0xb2: {  	s24 =	simm.s32 $0x16400  }
0xb3: {  	[tilespmem:s24], [sflag:$0x4] =	stream.indirect_vreg.gather [hbm4b:s2+s3], $0x80, v3, vm0, $0xb8;
	[tilespmem:$0x1F400] =	vst v63  }
0xb4: {  	s25 =	simm.s32 $0x16C00  }
0xb5: {  	[tilespmem:s25], [sflag:$0x4] =	stream.indirect_vreg.gather [hbm4b:s5+s3], $0x80, v3, vm0, $0xb8;
	[tilespmem:$0x1F400] =	vst v63  }
0xb6: {  	v3 =	vld [tilespmem:$0x88];
	_ =	sdelay $0x4  }
0xb7: {  	v59 =	vshll.u32 v3, $0x2  }
0xb8: {  	v3 =	vand.u32 $0x7, v3;
	v4 =	vand.u32 $0xFFFFFFE0, v59  }
0xb9: {  	v3 =	vor.u32 v3, v4  }
0xba: {  	v4 =	vperm.xlane v3, v0;
	_ =	sdelay $0x1  }
0xbb: {  	v4 =	vadd.s32 v1, v4;
	_ =	sdelay $0x1  }
0xbc: {  	v3 =	vperm.xlane v3, v2;
	_ =	sdelay $0x1  }
0xbd: {  	s28 =	simm.s32 $0x17400;
	v3 =	vadd.s32 v1, v3  }
0xbe: {  	[tilespmem:s28], [sflag:$0x4] =	stream.indirect_vreg.gather [hbm4b:s2+s3], $0x80, v4, vm0, $0xb8;
	[tilespmem:$0x1F400] =	vst v63  }
0xbf: {  	s24 =	simm.s32 $0x17C00  }
0xc0: {  	[tilespmem:s24], [sflag:$0x4] =	stream.indirect_vreg.gather [hbm4b:s5+s3], $0x80, v4, vm0, $0xb8;
	[tilespmem:$0x1F400] =	vst v63  }
0xc1: {  	s25 =	simm.s32 $0x18400  }
0xc2: {  	[tilespmem:s25], [sflag:$0x4] =	stream.indirect_vreg.gather [hbm4b:s2+s3], $0x80, v3, vm0, $0xb8;
	[tilespmem:$0x1F400] =	vst v63  }
0xc3: {  	s28 =	simm.s32 $0x18C00  }
0xc4: {  	[tilespmem:s28], [sflag:$0x4] =	stream.indirect_vreg.gather [hbm4b:s5+s3], $0x80, v3, vm0, $0xb8;
	[tilespmem:$0x1F400] =	vst v63  }
0xc5: {  	v3 =	vld.msk [tilespmem:$0x98], $0xff;
	_ =	sdelay $0x4  }
0xc6: {  	v60 =	vshll.u32 v3, $0x2  }
0xc7: {  	v3 =	vand.u32 $0x7, v3;
	v4 =	vand.u32 $0xFFFFFFE0, v60  }
0xc8: {  	v3 =	vor.u32 v3, v4  }
0xc9: {  	v3 =	vperm.xlane v3, v0;
	_ =	sdelay $0x1  }
0xca: {  	v3 =	vadd.s32 v1, v3;
	_ =	sdelay $0x3  }
0xcb: {  	s24 =	simm.s32 $0x19400  }
0xcc: {  	[tilespmem:s24], [sflag:$0x4] =	stream.indirect_vreg.gather [hbm4b:s2+s3], $0x80, v3, vm0, $0xb8;
	[tilespmem:$0x1F400] =	vst v63  }
0xcd: {  	s25 =	simm.s32 $0x19C00  }
0xce: {  	[tilespmem:s25], [sflag:$0x4] =	stream.indirect_vreg.gather [hbm4b:s5+s3], $0x80, v3, vm0, $0xb8;
	[tilespmem:$0x1F400] =	vst v63  }
0xcf: {  	v3 =	vld [tilespmem:$0xA0];
	_ =	sdelay $0x4  }
0xd0: {  	v61 =	vshll.u32 v3, $0x2  }
0xd1: {  	v3 =	vand.u32 $0x7, v3;
	v4 =	vand.u32 $0xFFFFFFE0, v61  }
0xd2: {  	v3 =	vor.u32 v3, v4  }
0xd3: {  	v4 =	vperm.xlane v3, v0;
	_ =	sdelay $0x1  }
0xd4: {  	v4 =	vadd.s32 v1, v4;
	_ =	sdelay $0x1  }
0xd5: {  	v3 =	vperm.xlane v3, v2;
	_ =	sdelay $0x1  }
0xd6: {  	v3 =	vadd.s32 v1, v3  }
0xd7: {  	[tilespmem:s26], [sflag:$0x5] =	stream.indirect_vreg.gather [hbm4b:s2+s3], $0x80, v4, vm0, $0xb8;
	[tilespmem:$0x1F400] =	vst v63  }
0xd8: {  	s28 =	simm.s32 $0x1AC00  }
0xd9: {  	[tilespmem:s28], [sflag:$0x5] =	stream.indirect_vreg.gather [hbm4b:s5+s3], $0x80, v4, vm0, $0xb8;
	[tilespmem:$0x1F400] =	vst v63  }
0xda: {  	_ = 	snop  }
0xdb: {  	[tilespmem:s29], [sflag:$0x5] =	stream.indirect_vreg.gather [hbm4b:s2+s3], $0x80, v3, vm0, $0xb8;
	[tilespmem:$0x1F400] =	vst v63  }
0xdc: {  	_ = 	snop  }
0xdd: {  	[tilespmem:s30], [sflag:$0x5] =	stream.indirect_vreg.gather [hbm4b:s5+s3], $0x80, v3, vm0, $0xb8;
	[tilespmem:$0x1F400] =	vst v63  }
0xde: {  	v3 =	vld [tilespmem:$0xB0];
	_ =	sdelay $0x4  }
0xdf: {  	v62 =	vshll.u32 v3, $0x2  }
0xe0: {  	v3 =	vand.u32 $0x7, v3;
	v4 =	vand.u32 $0xFFFFFFE0, v62  }
0xe1: {  	v3 =	vor.u32 v3, v4  }
0xe2: {  	v4 =	vperm.xlane v3, v0;
	_ =	sdelay $0x1  }
0xe3: {  	v4 =	vadd.s32 v1, v4;
	_ =	sdelay $0x1  }
0xe4: {  	v3 =	vperm.xlane v3, v2;
	_ =	sdelay $0x1  }
0xe5: {  	v3 =	vadd.s32 v1, v3  }
0xe6: {  	[tilespmem:s31], [sflag:$0x5] =	stream.indirect_vreg.gather [hbm4b:s2+s3], $0x80, v4, vm0, $0xb8;
	[tilespmem:$0x1F400] =	vst v63  }
0xe7: {  	_ = 	snop  }
0xe8: {  	[tilespmem:s1], [sflag:$0x5] =	stream.indirect_vreg.gather [hbm4b:s5+s3], $0x80, v4, vm0, $0xb8;
	[tilespmem:$0x1F400] =	vst v63  }
0xe9: {  	_ = 	snop  }
0xea: {  	[tilespmem:s8], [sflag:$0x5] =	stream.indirect_vreg.gather [hbm4b:s2+s3], $0x80, v3, vm0, $0xb8;
	[tilespmem:$0x1F400] =	vst v63  }
0xeb: {  	_ = 	snop  }
0xec: {  	[tilespmem:s9], [sflag:$0x5] =	stream.indirect_vreg.gather [hbm4b:s5+s3], $0x80, v3, vm0, $0xb8;
	[tilespmem:$0x1F400] =	vst v63  }
0xed: {  	v3 =	vld.msk [tilespmem:$0xC0], $0xff;
	_ =	sdelay $0x4  }
0xee: {  	v63 =	vshll.u32 v3, $0x2  }
0xef: {  	v3 =	vand.u32 $0x7, v3;
	v4 =	vand.u32 $0xFFFFFFE0, v63  }
0xf0: {  	v3 =	vor.u32 v3, v4  }
0xf1: {  	v3 =	vperm.xlane v3, v0;
	_ =	sdelay $0x1  }
0xf2: {  	v3 =	vadd.s32 v1, v3;
	_ =	sdelay $0x4  }
0xf3: {  	[tilespmem:s4], [sflag:$0x5] =	stream.indirect_vreg.gather [hbm4b:s2+s3], $0x80, v3, vm0, $0xb8;
	[tilespmem:$0x1F400] =	vst v63  }
0xf4: {  	s23 =	simm.s32 $0x188;
	s24 =	simm.s32 $0x0  }
0xf5: {  	[tilespmem:s6], [sflag:$0x5] =	stream.indirect_vreg.gather [hbm4b:s5+s3], $0x80, v3, vm0, $0xb8;
	[tilespmem:$0x1F400] =	vst v63  }
.LBB2_2:
0xf6: {  	_ =	swait.ge [sflag:s10], $0x5000  }
0xf7: {  	[sflag:s10] =	ssyncset.done $0x0  }
0xf8: {  	s25 =	sadd.s32 s24, s7;
	[sflag:s10] =	ssyncadd.s32 $0xFFFFB000  }
0xf9: {  	[hbm4b:s25+s3] =	stream.linear.scatter [tilespmem:s11], [sflag:$0x6], $0x5000, $0x38;
	[tilespmem:$0x1F400] =	vst v63  }
0xfa: {  	_ =	swait.ge [sflag:s12], $0x5000  }
0xfb: {  	[sflag:s12] =	ssyncset.done $0x0  }
0xfc: {  	s28 =	sadd.s32 $0xA00, s25;
	[sflag:s12] =	ssyncadd.s32 $0xFFFFB000  }
0xfd: {  	[hbm4b:s28+s3] =	stream.linear.scatter [tilespmem:s21], [sflag:$0x7], $0x5000, $0x38;
	[tilespmem:$0x1F400] =	vst v63  }
0xfe: {  	_ =	swait.ge [sflag:s13], $0x5000  }
0xff: {  	[sflag:s13] =	ssyncset.done $0x0  }
0x100: {  	s28 =	sadd.s32 $0x1400, s25;
	[sflag:s13] =	ssyncadd.s32 $0xFFFFB000  }
0x101: {  	[hbm4b:s28+s3] =	stream.linear.scatter [tilespmem:s0], [sflag:$0x8], $0x5000, $0x38;
	[tilespmem:$0x1F400] =	vst v63  }
0x102: {  	_ =	swait.ge [sflag:s14], $0x5000  }
0x103: {  	[sflag:s14] =	ssyncset.done $0x0  }
0x104: {  	p0 =	seq.s32 s24, $0x18CE00;
	s28 =	sadd.s32 $0x1E00, s25;
	[sflag:s14] =	ssyncadd.s32 $0xFFFFB000  }
0x105: {  	[hbm4b:s28+s3] =	stream.linear.scatter [tilespmem:s15], [sflag:$0x9], $0x5000, $0x38;
	[tilespmem:$0x1F400] =	vst v63  }
.Ltmp2:
0x106: {  	_ = 	snop;
	(pc) =	sbr.rel @p0 .LBB2_4-.Ltmp2, $4  }
0x107: {  	_ =	swait.ge [sflag:s16], $0x5000  }
0x108: {  	[sflag:s16] =	ssyncset.done $0x0  }
0x109: {  	s25 =	sadd.s32 $0x2800, s25;
	[sflag:s16] =	ssyncadd.s32 $0xFFFFB000  }
0x10a: {  	[hbm4b:s25+s3] =	stream.linear.scatter [tilespmem:s26], [sflag:$0xA], $0x5000, $0x38;
	[tilespmem:$0x1F400] =	vst v63  }
0x10b: {  	_ =	swait.ge [sflag:s17], $0x5000  }
0x10c: {  	[sflag:s17] =	ssyncset.done $0x0  }
0x10d: {  	[sflag:s17] =	ssyncadd.s32 $0xFFFFB000  }
0x10e: {  	v3 =	vld [tilespmem:s23+$0xFFFFFF40];
	_ =	sdelay $0x4  }
0x10f: {  	v4 =	vshll.u32 v3, $0x2  }
0x110: {  	v3 =	vand.u32 $0x7, v3;
	v4 =	vand.u32 $0xFFFFFFE0, v4  }
0x111: {  	v3 =	vor.u32 v3, v4  }
0x112: {  	v4 =	vperm.xlane v3, v0;
	_ =	sdelay $0x1  }
0x113: {  	v4 =	vadd.s32 v1, v4;
	_ =	sdelay $0x1  }
0x114: {  	v3 =	vperm.xlane v3, v2;
	_ =	sdelay $0x1  }
0x115: {  	v3 =	vadd.s32 v1, v3  }
0x116: {  	[tilespmem:s11], [sflag:$0x1] =	stream.indirect_vreg.gather [hbm4b:s2+s3], $0x80, v4, vm0, $0xb8;
	[tilespmem:$0x1F400] =	vst v63  }
0x117: {  	s25 =	simm.s32 $0x6C00  }
0x118: {  	[tilespmem:s25], [sflag:$0x1] =	stream.indirect_vreg.gather [hbm4b:s5+s3], $0x80, v4, vm0, $0xb8;
	[tilespmem:$0x1F400] =	vst v63  }
0x119: {  	s28 =	simm.s32 $0x7400  }
0x11a: {  	[tilespmem:s28], [sflag:$0x1] =	stream.indirect_vreg.gather [hbm4b:s2+s3], $0x80, v3, vm0, $0xb8;
	[tilespmem:$0x1F400] =	vst v63  }
0x11b: {  	s28 =	simm.s32 $0x7C00  }
0x11c: {  	[tilespmem:s28], [sflag:$0x1] =	stream.indirect_vreg.gather [hbm4b:s5+s3], $0x80, v3, vm0, $0xb8;
	[tilespmem:$0x1F400] =	vst v63  }
0x11d: {  	v3 =	vld [tilespmem:s23+$0xFFFFFF50];
	_ =	sdelay $0x4  }
0x11e: {  	v50 =	vshll.u32 v3, $0x2  }
0x11f: {  	v3 =	vand.u32 $0x7, v3;
	v4 =	vand.u32 $0xFFFFFFE0, v50  }
0x120: {  	v3 =	vor.u32 v3, v4  }
0x121: {  	v4 =	vperm.xlane v3, v0;
	_ =	sdelay $0x1  }
0x122: {  	v4 =	vadd.s32 v1, v4;
	_ =	sdelay $0x1  }
0x123: {  	v3 =	vperm.xlane v3, v2;
	_ =	sdelay $0x1  }
0x124: {  	s28 =	simm.s32 $0x8400;
	v3 =	vadd.s32 v1, v3  }
0x125: {  	[tilespmem:s28], [sflag:$0x1] =	stream.indirect_vreg.gather [hbm4b:s2+s3], $0x80, v4, vm0, $0xb8;
	[tilespmem:$0x1F400] =	vst v63  }
0x126: {  	s28 =	simm.s32 $0x8C00  }
0x127: {  	[tilespmem:s28], [sflag:$0x1] =	stream.indirect_vreg.gather [hbm4b:s5+s3], $0x80, v4, vm0, $0xb8;
	[tilespmem:$0x1F400] =	vst v63  }
0x128: {  	s28 =	simm.s32 $0x9400  }
0x129: {  	[tilespmem:s28], [sflag:$0x1] =	stream.indirect_vreg.gather [hbm4b:s2+s3], $0x80, v3, vm0, $0xb8;
	[tilespmem:$0x1F400] =	vst v63  }
0x12a: {  	s28 =	simm.s32 $0x9C00  }
0x12b: {  	[tilespmem:s28], [sflag:$0x1] =	stream.indirect_vreg.gather [hbm4b:s5+s3], $0x80, v3, vm0, $0xb8;
	[tilespmem:$0x1F400] =	vst v63  }
0x12c: {  	v3 =	vld.msk [tilespmem:s23+$0xFFFFFF60], $0xff;
	_ =	sdelay $0x4  }
0x12d: {  	v51 =	vshll.u32 v3, $0x2  }
0x12e: {  	v3 =	vand.u32 $0x7, v3;
	v4 =	vand.u32 $0xFFFFFFE0, v51  }
0x12f: {  	v3 =	vor.u32 v3, v4  }
0x130: {  	v3 =	vperm.xlane v3, v0;
	_ =	sdelay $0x1  }
0x131: {  	v3 =	vadd.s32 v1, v3;
	_ =	sdelay $0x3  }
0x132: {  	s28 =	simm.s32 $0xA400  }
0x133: {  	[tilespmem:s28], [sflag:$0x1] =	stream.indirect_vreg.gather [hbm4b:s2+s3], $0x80, v3, vm0, $0xb8;
	[tilespmem:$0x1F400] =	vst v63  }
0x134: {  	s28 =	simm.s32 $0xAC00  }
0x135: {  	[tilespmem:s28], [sflag:$0x1] =	stream.indirect_vreg.gather [hbm4b:s5+s3], $0x80, v3, vm0, $0xb8;
	[tilespmem:$0x1F400] =	vst v63  }
0x136: {  	_ =	swait.ge [sflag:s18], $0x5000  }
0x137: {  	[sflag:s18] =	ssyncset.done $0x0  }
0x138: {  	[sflag:s18] =	ssyncadd.s32 $0xFFFFB000  }
0x139: {  	v3 =	vld [tilespmem:s23+$0xFFFFFF68];
	_ =	sdelay $0x4  }
0x13a: {  	v52 =	vshll.u32 v3, $0x2  }
0x13b: {  	v3 =	vand.u32 $0x7, v3;
	v4 =	vand.u32 $0xFFFFFFE0, v52  }
0x13c: {  	v3 =	vor.u32 v3, v4  }
0x13d: {  	v4 =	vperm.xlane v3, v0;
	_ =	sdelay $0x1  }
0x13e: {  	v4 =	vadd.s32 v1, v4;
	_ =	sdelay $0x1  }
0x13f: {  	v3 =	vperm.xlane v3, v2;
	_ =	sdelay $0x1  }
0x140: {  	v3 =	vadd.s32 v1, v3  }
0x141: {  	[tilespmem:s21], [sflag:$0x2] =	stream.indirect_vreg.gather [hbm4b:s2+s3], $0x80, v4, vm0, $0xb8;
	[tilespmem:$0x1F400] =	vst v63  }
0x142: {  	s28 =	simm.s32 $0xBC00  }
0x143: {  	[tilespmem:s28], [sflag:$0x2] =	stream.indirect_vreg.gather [hbm4b:s5+s3], $0x80, v4, vm0, $0xb8;
	[tilespmem:$0x1F400] =	vst v63  }
0x144: {  	s28 =	simm.s32 $0xC400  }
0x145: {  	[tilespmem:s28], [sflag:$0x2] =	stream.indirect_vreg.gather [hbm4b:s2+s3], $0x80, v3, vm0, $0xb8;
	[tilespmem:$0x1F400] =	vst v63  }
0x146: {  	s28 =	simm.s32 $0xCC00  }
0x147: {  	[tilespmem:s28], [sflag:$0x2] =	stream.indirect_vreg.gather [hbm4b:s5+s3], $0x80, v3, vm0, $0xb8;
	[tilespmem:$0x1F400] =	vst v63  }
0x148: {  	v3 =	vld [tilespmem:s23+$0xFFFFFF78];
	_ =	sdelay $0x4  }
0x149: {  	v53 =	vshll.u32 v3, $0x2  }
0x14a: {  	v3 =	vand.u32 $0x7, v3;
	v4 =	vand.u32 $0xFFFFFFE0, v53  }
0x14b: {  	v3 =	vor.u32 v3, v4  }
0x14c: {  	v4 =	vperm.xlane v3, v0;
	_ =	sdelay $0x1  }
0x14d: {  	v4 =	vadd.s32 v1, v4;
	_ =	sdelay $0x1  }
0x14e: {  	v3 =	vperm.xlane v3, v2;
	_ =	sdelay $0x1  }
0x14f: {  	s28 =	simm.s32 $0xD400;
	v3 =	vadd.s32 v1, v3  }
0x150: {  	[tilespmem:s28], [sflag:$0x2] =	stream.indirect_vreg.gather [hbm4b:s2+s3], $0x80, v4, vm0, $0xb8;
	[tilespmem:$0x1F400] =	vst v63  }
0x151: {  	s28 =	simm.s32 $0xDC00  }
0x152: {  	[tilespmem:s28], [sflag:$0x2] =	stream.indirect_vreg.gather [hbm4b:s5+s3], $0x80, v4, vm0, $0xb8;
	[tilespmem:$0x1F400] =	vst v63  }
0x153: {  	s28 =	simm.s32 $0xE400  }
0x154: {  	[tilespmem:s28], [sflag:$0x2] =	stream.indirect_vreg.gather [hbm4b:s2+s3], $0x80, v3, vm0, $0xb8;
	[tilespmem:$0x1F400] =	vst v63  }
0x155: {  	s28 =	simm.s32 $0xEC00  }
0x156: {  	[tilespmem:s28], [sflag:$0x2] =	stream.indirect_vreg.gather [hbm4b:s5+s3], $0x80, v3, vm0, $0xb8;
	[tilespmem:$0x1F400] =	vst v63  }
0x157: {  	v3 =	vld.msk [tilespmem:s23+$0xFFFFFF88], $0xff;
	_ =	sdelay $0x4  }
0x158: {  	v54 =	vshll.u32 v3, $0x2  }
0x159: {  	v3 =	vand.u32 $0x7, v3;
	v4 =	vand.u32 $0xFFFFFFE0, v54  }
0x15a: {  	v3 =	vor.u32 v3, v4  }
0x15b: {  	v3 =	vperm.xlane v3, v0;
	_ =	sdelay $0x1  }
0x15c: {  	v3 =	vadd.s32 v1, v3;
	_ =	sdelay $0x3  }
0x15d: {  	s28 =	simm.s32 $0xF400  }
0x15e: {  	[tilespmem:s28], [sflag:$0x2] =	stream.indirect_vreg.gather [hbm4b:s2+s3], $0x80, v3, vm0, $0xb8;
	[tilespmem:$0x1F400] =	vst v63  }
0x15f: {  	s28 =	simm.s32 $0xFC00  }
0x160: {  	[tilespmem:s28], [sflag:$0x2] =	stream.indirect_vreg.gather [hbm4b:s5+s3], $0x80, v3, vm0, $0xb8;
	[tilespmem:$0x1F400] =	vst v63  }
0x161: {  	_ =	swait.ge [sflag:s19], $0x5000  }
0x162: {  	[sflag:s19] =	ssyncset.done $0x0  }
0x163: {  	[sflag:s19] =	ssyncadd.s32 $0xFFFFB000  }
0x164: {  	v3 =	vld [tilespmem:s23+$0xFFFFFF90];
	_ =	sdelay $0x4  }
0x165: {  	v55 =	vshll.u32 v3, $0x2  }
0x166: {  	v3 =	vand.u32 $0x7, v3;
	v4 =	vand.u32 $0xFFFFFFE0, v55  }
0x167: {  	v3 =	vor.u32 v3, v4  }
0x168: {  	v4 =	vperm.xlane v3, v0;
	_ =	sdelay $0x1  }
0x169: {  	v4 =	vadd.s32 v1, v4;
	_ =	sdelay $0x1  }
0x16a: {  	v3 =	vperm.xlane v3, v2;
	_ =	sdelay $0x1  }
0x16b: {  	v3 =	vadd.s32 v1, v3  }
0x16c: {  	[tilespmem:s0], [sflag:$0x3] =	stream.indirect_vreg.gather [hbm4b:s2+s3], $0x80, v4, vm0, $0xb8;
	[tilespmem:$0x1F400] =	vst v63  }
0x16d: {  	s28 =	simm.s32 $0x10C00  }
0x16e: {  	[tilespmem:s28], [sflag:$0x3] =	stream.indirect_vreg.gather [hbm4b:s5+s3], $0x80, v4, vm0, $0xb8;
	[tilespmem:$0x1F400] =	vst v63  }
0x16f: {  	s28 =	simm.s32 $0x11400  }
0x170: {  	[tilespmem:s28], [sflag:$0x3] =	stream.indirect_vreg.gather [hbm4b:s2+s3], $0x80, v3, vm0, $0xb8;
	[tilespmem:$0x1F400] =	vst v63  }
0x171: {  	s28 =	simm.s32 $0x11C00  }
0x172: {  	[tilespmem:s28], [sflag:$0x3] =	stream.indirect_vreg.gather [hbm4b:s5+s3], $0x80, v3, vm0, $0xb8;
	[tilespmem:$0x1F400] =	vst v63  }
0x173: {  	v3 =	vld [tilespmem:s23+$0xFFFFFFA0];
	_ =	sdelay $0x4  }
0x174: {  	v56 =	vshll.u32 v3, $0x2  }
0x175: {  	v3 =	vand.u32 $0x7, v3;
	v4 =	vand.u32 $0xFFFFFFE0, v56  }
0x176: {  	v3 =	vor.u32 v3, v4  }
0x177: {  	v4 =	vperm.xlane v3, v0;
	_ =	sdelay $0x1  }
0x178: {  	v4 =	vadd.s32 v1, v4;
	_ =	sdelay $0x1  }
0x179: {  	v3 =	vperm.xlane v3, v2;
	_ =	sdelay $0x1  }
0x17a: {  	s28 =	simm.s32 $0x12400;
	v3 =	vadd.s32 v1, v3  }
0x17b: {  	[tilespmem:s28], [sflag:$0x3] =	stream.indirect_vreg.gather [hbm4b:s2+s3], $0x80, v4, vm0, $0xb8;
	[tilespmem:$0x1F400] =	vst v63  }
0x17c: {  	s28 =	simm.s32 $0x12C00  }
0x17d: {  	[tilespmem:s28], [sflag:$0x3] =	stream.indirect_vreg.gather [hbm4b:s5+s3], $0x80, v4, vm0, $0xb8;
	[tilespmem:$0x1F400] =	vst v63  }
0x17e: {  	s28 =	simm.s32 $0x13400  }
0x17f: {  	[tilespmem:s28], [sflag:$0x3] =	stream.indirect_vreg.gather [hbm4b:s2+s3], $0x80, v3, vm0, $0xb8;
	[tilespmem:$0x1F400] =	vst v63  }
0x180: {  	s28 =	simm.s32 $0x13C00  }
0x181: {  	[tilespmem:s28], [sflag:$0x3] =	stream.indirect_vreg.gather [hbm4b:s5+s3], $0x80, v3, vm0, $0xb8;
	[tilespmem:$0x1F400] =	vst v63  }
0x182: {  	v3 =	vld.msk [tilespmem:s23+$0xFFFFFFB0], $0xff;
	_ =	sdelay $0x4  }
0x183: {  	v57 =	vshll.u32 v3, $0x2  }
0x184: {  	v3 =	vand.u32 $0x7, v3;
	v4 =	vand.u32 $0xFFFFFFE0, v57  }
0x185: {  	v3 =	vor.u32 v3, v4  }
0x186: {  	v3 =	vperm.xlane v3, v0;
	_ =	sdelay $0x1  }
0x187: {  	v3 =	vadd.s32 v1, v3;
	_ =	sdelay $0x3  }
0x188: {  	s28 =	simm.s32 $0x14400  }
0x189: {  	[tilespmem:s28], [sflag:$0x3] =	stream.indirect_vreg.gather [hbm4b:s2+s3], $0x80, v3, vm0, $0xb8;
	[tilespmem:$0x1F400] =	vst v63  }
0x18a: {  	s28 =	simm.s32 $0x14C00  }
0x18b: {  	[tilespmem:s28], [sflag:$0x3] =	stream.indirect_vreg.gather [hbm4b:s5+s3], $0x80, v3, vm0, $0xb8;
	[tilespmem:$0x1F400] =	vst v63  }
0x18c: {  	_ =	swait.ge [sflag:s20], $0x5000  }
0x18d: {  	[sflag:s20] =	ssyncset.done $0x0  }
0x18e: {  	[sflag:s20] =	ssyncadd.s32 $0xFFFFB000  }
0x18f: {  	v3 =	vld [tilespmem:s23+$0xFFFFFFB8];
	_ =	sdelay $0x4  }
0x190: {  	v58 =	vshll.u32 v3, $0x2  }
0x191: {  	v3 =	vand.u32 $0x7, v3;
	v4 =	vand.u32 $0xFFFFFFE0, v58  }
0x192: {  	v3 =	vor.u32 v3, v4  }
0x193: {  	v4 =	vperm.xlane v3, v0;
	_ =	sdelay $0x1  }
0x194: {  	v4 =	vadd.s32 v1, v4;
	_ =	sdelay $0x1  }
0x195: {  	v3 =	vperm.xlane v3, v2;
	_ =	sdelay $0x1  }
0x196: {  	v3 =	vadd.s32 v1, v3  }
0x197: {  	[tilespmem:s15], [sflag:$0x4] =	stream.indirect_vreg.gather [hbm4b:s2+s3], $0x80, v4, vm0, $0xb8;
	[tilespmem:$0x1F400] =	vst v63  }
0x198: {  	s28 =	simm.s32 $0x15C00  }
0x199: {  	[tilespmem:s28], [sflag:$0x4] =	stream.indirect_vreg.gather [hbm4b:s5+s3], $0x80, v4, vm0, $0xb8;
	[tilespmem:$0x1F400] =	vst v63  }
0x19a: {  	s28 =	simm.s32 $0x16400  }
0x19b: {  	[tilespmem:s28], [sflag:$0x4] =	stream.indirect_vreg.gather [hbm4b:s2+s3], $0x80, v3, vm0, $0xb8;
	[tilespmem:$0x1F400] =	vst v63  }
0x19c: {  	s28 =	simm.s32 $0x16C00  }
0x19d: {  	[tilespmem:s28], [sflag:$0x4] =	stream.indirect_vreg.gather [hbm4b:s5+s3], $0x80, v3, vm0, $0xb8;
	[tilespmem:$0x1F400] =	vst v63  }
0x19e: {  	v3 =	vld [tilespmem:s23+$0xFFFFFFC8];
	_ =	sdelay $0x4  }
0x19f: {  	v59 =	vshll.u32 v3, $0x2  }
0x1a0: {  	v3 =	vand.u32 $0x7, v3;
	v4 =	vand.u32 $0xFFFFFFE0, v59  }
0x1a1: {  	v3 =	vor.u32 v3, v4  }
0x1a2: {  	v4 =	vperm.xlane v3, v0;
	_ =	sdelay $0x1  }
0x1a3: {  	v4 =	vadd.s32 v1, v4;
	_ =	sdelay $0x1  }
0x1a4: {  	v3 =	vperm.xlane v3, v2;
	_ =	sdelay $0x1  }
0x1a5: {  	s28 =	simm.s32 $0x17400;
	v3 =	vadd.s32 v1, v3  }
0x1a6: {  	[tilespmem:s28], [sflag:$0x4] =	stream.indirect_vreg.gather [hbm4b:s2+s3], $0x80, v4, vm0, $0xb8;
	[tilespmem:$0x1F400] =	vst v63  }
0x1a7: {  	s28 =	simm.s32 $0x17C00  }
0x1a8: {  	[tilespmem:s28], [sflag:$0x4] =	stream.indirect_vreg.gather [hbm4b:s5+s3], $0x80, v4, vm0, $0xb8;
	[tilespmem:$0x1F400] =	vst v63  }
0x1a9: {  	s28 =	simm.s32 $0x18400  }
0x1aa: {  	[tilespmem:s28], [sflag:$0x4] =	stream.indirect_vreg.gather [hbm4b:s2+s3], $0x80, v3, vm0, $0xb8;
	[tilespmem:$0x1F400] =	vst v63  }
0x1ab: {  	s28 =	simm.s32 $0x18C00  }
0x1ac: {  	[tilespmem:s28], [sflag:$0x4] =	stream.indirect_vreg.gather [hbm4b:s5+s3], $0x80, v3, vm0, $0xb8;
	[tilespmem:$0x1F400] =	vst v63  }
0x1ad: {  	v3 =	vld.msk [tilespmem:s23+$0xFFFFFFD8], $0xff;
	_ =	sdelay $0x4  }
0x1ae: {  	v60 =	vshll.u32 v3, $0x2  }
0x1af: {  	v3 =	vand.u32 $0x7, v3;
	v4 =	vand.u32 $0xFFFFFFE0, v60  }
0x1b0: {  	v3 =	vor.u32 v3, v4  }
0x1b1: {  	v3 =	vperm.xlane v3, v0;
	_ =	sdelay $0x1  }
0x1b2: {  	v3 =	vadd.s32 v1, v3;
	_ =	sdelay $0x3  }
0x1b3: {  	s28 =	simm.s32 $0x19400  }
0x1b4: {  	[tilespmem:s28], [sflag:$0x4] =	stream.indirect_vreg.gather [hbm4b:s2+s3], $0x80, v3, vm0, $0xb8;
	[tilespmem:$0x1F400] =	vst v63  }
0x1b5: {  	s28 =	simm.s32 $0x19C00  }
0x1b6: {  	[tilespmem:s28], [sflag:$0x4] =	stream.indirect_vreg.gather [hbm4b:s5+s3], $0x80, v3, vm0, $0xb8;
	[tilespmem:$0x1F400] =	vst v63  }
0x1b7: {  	_ =	swait.ge [sflag:s22], $0x5000  }
0x1b8: {  	[sflag:s22] =	ssyncset.done $0x0  }
0x1b9: {  	[sflag:s22] =	ssyncadd.s32 $0xFFFFB000  }
0x1ba: {  	v3 =	vld [tilespmem:s23+$0xFFFFFFE0];
	_ =	sdelay $0x4  }
0x1bb: {  	v61 =	vshll.u32 v3, $0x2  }
0x1bc: {  	v3 =	vand.u32 $0x7, v3;
	v4 =	vand.u32 $0xFFFFFFE0, v61  }
0x1bd: {  	v3 =	vor.u32 v3, v4  }
0x1be: {  	v4 =	vperm.xlane v3, v0;
	_ =	sdelay $0x1  }
0x1bf: {  	v4 =	vadd.s32 v1, v4;
	_ =	sdelay $0x1  }
0x1c0: {  	v3 =	vperm.xlane v3, v2;
	_ =	sdelay $0x1  }
0x1c1: {  	v3 =	vadd.s32 v1, v3  }
0x1c2: {  	[tilespmem:s26], [sflag:$0x5] =	stream.indirect_vreg.gather [hbm4b:s2+s3], $0x80, v4, vm0, $0xb8;
	[tilespmem:$0x1F400] =	vst v63  }
0x1c3: {  	s28 =	simm.s32 $0x1AC00  }
0x1c4: {  	[tilespmem:s28], [sflag:$0x5] =	stream.indirect_vreg.gather [hbm4b:s5+s3], $0x80, v4, vm0, $0xb8;
	[tilespmem:$0x1F400] =	vst v63  }
0x1c5: {  	_ = 	snop  }
0x1c6: {  	[tilespmem:s29], [sflag:$0x5] =	stream.indirect_vreg.gather [hbm4b:s2+s3], $0x80, v3, vm0, $0xb8;
	[tilespmem:$0x1F400] =	vst v63  }
0x1c7: {  	_ = 	snop  }
0x1c8: {  	[tilespmem:s30], [sflag:$0x5] =	stream.indirect_vreg.gather [hbm4b:s5+s3], $0x80, v3, vm0, $0xb8;
	[tilespmem:$0x1F400] =	vst v63  }
0x1c9: {  	v3 =	vld [tilespmem:s23+$0xFFFFFFF0];
	_ =	sdelay $0x4  }
0x1ca: {  	v62 =	vshll.u32 v3, $0x2  }
0x1cb: {  	v3 =	vand.u32 $0x7, v3;
	v4 =	vand.u32 $0xFFFFFFE0, v62  }
0x1cc: {  	v3 =	vor.u32 v3, v4  }
0x1cd: {  	v4 =	vperm.xlane v3, v0;
	_ =	sdelay $0x1  }
0x1ce: {  	v4 =	vadd.s32 v1, v4;
	_ =	sdelay $0x1  }
0x1cf: {  	v3 =	vperm.xlane v3, v2;
	_ =	sdelay $0x1  }
0x1d0: {  	v3 =	vadd.s32 v1, v3  }
0x1d1: {  	[tilespmem:s31], [sflag:$0x5] =	stream.indirect_vreg.gather [hbm4b:s2+s3], $0x80, v4, vm0, $0xb8;
	[tilespmem:$0x1F400] =	vst v63  }
0x1d2: {  	_ = 	snop  }
0x1d3: {  	[tilespmem:s1], [sflag:$0x5] =	stream.indirect_vreg.gather [hbm4b:s5+s3], $0x80, v4, vm0, $0xb8;
	[tilespmem:$0x1F400] =	vst v63  }
0x1d4: {  	_ = 	snop  }
0x1d5: {  	[tilespmem:s8], [sflag:$0x5] =	stream.indirect_vreg.gather [hbm4b:s2+s3], $0x80, v3, vm0, $0xb8;
	[tilespmem:$0x1F400] =	vst v63  }
0x1d6: {  	_ = 	snop  }
0x1d7: {  	[tilespmem:s9], [sflag:$0x5] =	stream.indirect_vreg.gather [hbm4b:s5+s3], $0x80, v3, vm0, $0xb8;
	[tilespmem:$0x1F400] =	vst v63  }
0x1d8: {  	v3 =	vld.msk [tilespmem:s23+$0x0], $0xff;
	_ =	sdelay $0x4  }
0x1d9: {  	v63 =	vshll.u32 v3, $0x2  }
0x1da: {  	v3 =	vand.u32 $0x7, v3;
	v4 =	vand.u32 $0xFFFFFFE0, v63  }
0x1db: {  	v3 =	vor.u32 v3, v4  }
0x1dc: {  	v3 =	vperm.xlane v3, v0;
	_ =	sdelay $0x1  }
0x1dd: {  	v3 =	vadd.s32 v1, v3  }
0x1de: {  	s24 =	sadd.s32 $0x3200, s24  }
0x1df: {  	p0 =	sne.s32 s24, $0x190000  }
.Ltmp3:
0x1e0: {  	_ = 	snop;
	(pc) =	sbr.rel @p0 .LBB2_2-.Ltmp3, $4  }
.Ltmp4:
0x1e1: {  	_ = 	snop;
	(pc) =	sbr.rel @!p0 .LBB2_4-.Ltmp4, $4  }
0x1e2: {  	[tilespmem:s4], [sflag:$0x5] =	stream.indirect_vreg.gather [hbm4b:s2+s3], $0x80, v3, vm0, $0xb8;
	[tilespmem:$0x1F400] =	vst v63  }
0x1e3: {  	s23 =	sadd.s32 $0xC8, s23  }
0x1e4: {  	[tilespmem:s6], [sflag:$0x5] =	stream.indirect_vreg.gather [hbm4b:s5+s3], $0x80, v3, vm0, $0xb8;
	[tilespmem:$0x1F400] =	vst v63  }
0x1e5: {  	_ = 	snop  }
.LBB2_5:
0x1e6: {  	_ =	sfence.sel $0x180000  }
0x1e7: {  	[bflag:$0x0] =	sbarrier.arrive $0xFFFF  }
0x1e8: {  	_ =	strace $0x90000047  }
0x1e9: {  	s0 =	stileid.u32;
	[bflag:$0x2] =	sbarrier.arrive $0xFFFF  }
0x1ea: {  	p0 =	sne.s32 s0, $0x0;
	s0 =	rddreg [dreg:$0x3]  }
0x1eb: {  	s0 =	sadd.s32 @!p0 $0x100000, s0  }
0x1ec: {  	[sflag:s0] =	ssyncadd.tile.s32 @!p0 $0x1;
	_ =	shalt  }
.Lfunc_end2:
_tile_overlayer_lowered:
.L_overlay_start_2:
0x1ed: {  	(tag) =	ssettag $0x2  }
0x1ee: {  	s0 =	rddreg [dreg:$0x0];
	s2 =	stileid.u32  }
0x1ef: {  	s1 =	rddreg [dreg:$0x1];
	p0 =	sne.s32 s2, $0x0  }
0x1f0: {  	s3 =	rddreg [dreg:$0x2];
	[bflag:$0x3] =	sbarrier.arrive $0xFFFF;
	s2 =	simm.s32 @!p0 $0x1C0B  }
0x1f1: {  	[timem:s3], [sflag:s2] =	dma.local @!p0 [hbm:s0], s1  }
0x1f2: {  	s0 =	simm.s32 @!p0 $0xB  }
0x1f3: {  	_ =	swait.ge @!p0 [sflag:s0], s1  }
0x1f4: {  	s1 =	ssub.s32 @!p0 $0x0, s1;
	[sflag:s0] =	ssyncset.done @!p0 $0x0  }
0x1f5: {  	[sflag:s0] =	ssyncadd.s32 @!p0 s1  }
0x1f6: {  	[bflag:$0x3] =	sbarrier.arrive $0xFFFF  }
0x1f7: {  	_ =	shalt  }

</sc_bundles>
